<compile_context>
chip_gen: v7x
topology: tpu7x:2x2x1
jax: 0.10.2.dev20260603
libtpu: 0.0.44.dev20260713+nightly
codegen_flags: <defaults>
</compile_context>

<pallas_src>
import functools

import jax
import jax.numpy as jnp
from jax import lax
from jax.experimental import pallas as pl
from jax.experimental.pallas import tpu as pltpu
from jax.experimental.pallas import tpu_sc as plsc

N = 10000
E = 320000
D = 128
DE = 16
H = 32

NC = 2
NS = 16
NW = NC * NS
EPW = E // NW
CHUNK = 125
NCHUNK = EPW // CHUNK
NPAD = 10240
SLICE = NPAD // NS
M = E // 4

BN = 1000


def _proj_body(x_ref, wa_ref, wb_ref, xs_ref, xd_ref):
    xb = x_ref[...]
    xs_ref[...] = jnp.dot(xb, wa_ref[...], preferred_element_type=jnp.float32)
    xd_ref[...] = jnp.dot(xb, wb_ref[...], preferred_element_type=jnp.float32)


def _project_nodes(x, w1a, w1b):
    return pl.pallas_call(
        _proj_body,
        grid=(N // BN,),
        in_specs=[
            pl.BlockSpec((BN, D), lambda i: (i, 0)),
            pl.BlockSpec((D, H), lambda i: (0, 0)),
            pl.BlockSpec((D, H), lambda i: (0, 0)),
        ],
        out_specs=[
            pl.BlockSpec((BN, H), lambda i: (i, 0)),
            pl.BlockSpec((BN, H), lambda i: (i, 0)),
        ],
        out_shape=[
            jax.ShapeDtypeStruct((N, H), jnp.float32),
            jax.ShapeDtypeStruct((N, H), jnp.float32),
        ],
    )(x, w1a, w1b)


MPW = M // NW
PCHUNK = 125
NPCH = MPW // PCHUNK


def _gather_body(xs_hbm, xd_hbm, src4, dst4, gs_hbm, gd_hbm,
                 idxs, idxd, tmp_a, tmp_b,
                 sga0, sga1, sgb0, sgb1, swa0, swa1, swb0, swb1):
    c = lax.axis_index("c")
    s = lax.axis_index("s")
    wid = s * NC + c
    pltpu.sync_copy(src4.at[:, wid], idxs)
    pltpu.sync_copy(dst4.at[:, wid], idxd)

    sga = (sga0, sga1)
    sgb = (sgb0, sgb1)
    swa = (swa0, swa1)
    swb = (swb0, swb1)

    def step(j, carry):
        g_a = pltpu.async_copy(xs_hbm.at[idxs.at[0, j]], tmp_a.at[0], sga[0])
        g_b = pltpu.async_copy(xd_hbm.at[idxd.at[0, j]], tmp_b.at[0], sgb[0])
        wbs = []
        for a in range(4):
            p = a % 2
            g_cur = (g_a, g_b)
            if a + 1 < 4:
                if a >= 1:
                    wa_prev, wb_prev = wbs[a - 1]
                    wa_prev.wait()
                    wb_prev.wait()
                q = (a + 1) % 2
                g_a = pltpu.async_copy(xs_hbm.at[idxs.at[a + 1, j]],
                                       tmp_a.at[q], sga[q])
                g_b = pltpu.async_copy(xd_hbm.at[idxd.at[a + 1, j]],
                                       tmp_b.at[q], sgb[q])
            g_cur[0].wait()
            g_cur[1].wait()
            wbs.append((
                pltpu.async_copy(tmp_a.at[p], gs_hbm.at[wid, j, :, a], swa[p]),
                pltpu.async_copy(tmp_b.at[p], gd_hbm.at[wid, j, :, a], swb[p]),
            ))
        for wa, wb in wbs[2:]:
            wa.wait()
            wb.wait()
        return carry

    lax.fori_loop(0, NPCH, step, 0)


def _gather_edges(xs, xd, src4, dst4):
    mesh = plsc.VectorSubcoreMesh(core_axis_name="c", subcore_axis_name="s", num_cores=NC, num_subcores=NS)
    k = functools.partial(
        pl.kernel,
        mesh=mesh,
        compiler_params=pltpu.CompilerParams(use_tc_tiling_on_sc=False),
        out_type=[
            jax.ShapeDtypeStruct((NW, NPCH, PCHUNK, 4, H), jnp.float32),
            jax.ShapeDtypeStruct((NW, NPCH, PCHUNK, 4, H), jnp.float32),
        ],
        scratch_types=[
            pltpu.VMEM((4, NPCH, PCHUNK), jnp.int32),
            pltpu.VMEM((4, NPCH, PCHUNK), jnp.int32),
            pltpu.VMEM((2, PCHUNK, H), jnp.float32),
            pltpu.VMEM((2, PCHUNK, H), jnp.float32),
            pltpu.SemaphoreType.DMA,
            pltpu.SemaphoreType.DMA,
            pltpu.SemaphoreType.DMA,
            pltpu.SemaphoreType.DMA,
            pltpu.SemaphoreType.DMA,
            pltpu.SemaphoreType.DMA,
            pltpu.SemaphoreType.DMA,
            pltpu.SemaphoreType.DMA,
        ],
    )(_gather_body)
    return k(xs, xd, src4, dst4)


BP = 3200


def _mlp_body(gs_ref, gd_ref, ea_ref, w1c4_ref, b1t_ref, w240_ref,
              w241_ref, w2d4_ref, bs_ref, p0_ref, p1_ref, ind_ref):
    g = gs_ref[...] + gd_ref[...]
    pre = g + jnp.dot(ea_ref[...], w1c4_ref[...],
                      preferred_element_type=jnp.float32) + b1t_ref[...]
    h = jnp.maximum(pre, 0.0)
    tdims = (((0,), (1,)), ((), ()))
    p0_ref[...] = lax.dot_general(w240_ref[...], h, tdims,
                                  preferred_element_type=jnp.float32) + bs_ref[0, 0]
    p1_ref[...] = lax.dot_general(w241_ref[...], h, tdims,
                                  preferred_element_type=jnp.float32) + bs_ref[0, 1]
    d = lax.dot_general(w2d4_ref[...], h, tdims,
                        preferred_element_type=jnp.float32) + bs_ref[0, 2]
    score = jax.nn.sigmoid(d)
    ind_ref[...] = (score > 0.9).astype(jnp.float32)


def _edge_mlp(gs_p, gd_p, ea4, w1c4, b1t, w240, w241, w2d4, bs):
    return pl.pallas_call(
        _mlp_body,
        grid=(M // BP,),
        in_specs=[
            pl.BlockSpec((BP, 128), lambda i: (i, 0)),
            pl.BlockSpec((BP, 128), lambda i: (i, 0)),
            pl.BlockSpec((BP, 64), lambda i: (i, 0)),
            pl.BlockSpec((64, 128), lambda i: (0, 0)),
            pl.BlockSpec((1, 128), lambda i: (0, 0)),
            pl.BlockSpec((128, 4), lambda i: (0, 0)),
            pl.BlockSpec((128, 4), lambda i: (0, 0)),
            pl.BlockSpec((128, 4), lambda i: (0, 0)),
            pl.BlockSpec((1, 4), lambda i: (0, 0)),
        ],
        out_specs=[
            pl.BlockSpec((4, BP), lambda i: (0, i)),
            pl.BlockSpec((4, BP), lambda i: (0, i)),
            pl.BlockSpec((4, BP), lambda i: (0, i)),
        ],
        out_shape=[
            jax.ShapeDtypeStruct((4, M), jnp.float32),
            jax.ShapeDtypeStruct((4, M), jnp.float32),
            jax.ShapeDtypeStruct((4, M), jnp.float32),
        ],
    )(gs_p, gd_p, ea4, w1c4, b1t, w240, w241, w2d4, bs)


def _scatter_body(dst2, ind2, out_hbm, dstb, indb, hist, shared, tmprow, acc):
    c = lax.axis_index("c")
    s = lax.axis_index("s")
    wid = s * NC + c
    pltpu.sync_copy(dst2.at[wid], dstb)
    pltpu.sync_copy(ind2.at[wid], indb)

    zeros16 = jnp.zeros((16,), jnp.float32)
    ones16 = jnp.ones((16,), jnp.float32)

    def zero_step(i, carry):
        hist[pl.ds(i * 16, 16)] = zeros16
        return carry

    lax.fori_loop(0, NPAD // 16, zero_step, 0)

    def scat_step(i, carry):
        idx = dstb[pl.ds(i * 16, 16)]
        v = indb[pl.ds(i * 16, 16)]
        plsc.store_scatter(hist, [idx], ones16, mask=v > 0.5)
        return carry

    lax.fori_loop(0, EPW // 16, scat_step, 0)

    pltpu.sync_copy(hist, shared.at[s])
    plsc.subcore_barrier()

    off = s * SLICE

    def zero_acc(t, carry):
        acc[pl.ds(t * 16, 16)] = zeros16
        return carry

    lax.fori_loop(0, SLICE // 16, zero_acc, 0)

    def red_row(w, carry):
        pltpu.sync_copy(shared.at[w, pl.ds(off, SLICE)], tmprow)

        def red_col(t, carry2):
            sl = pl.ds(t * 16, 16)
            acc[sl] = jnp.maximum(acc[sl], tmprow[sl])
            return carry2

        lax.fori_loop(0, SLICE // 16, red_col, 0)
        return carry

    lax.fori_loop(0, NS, red_row, 0)
    pltpu.sync_copy(acc, out_hbm.at[c, pl.ds(off, SLICE)])


def _segment_any(dst2, ind2):
    mesh = plsc.VectorSubcoreMesh(core_axis_name="c", subcore_axis_name="s", num_cores=NC, num_subcores=NS)
    k = functools.partial(
        pl.kernel,
        mesh=mesh,
        compiler_params=pltpu.CompilerParams(
            use_tc_tiling_on_sc=False, needs_layout_passes=False),
        out_type=jax.ShapeDtypeStruct((NC, NPAD), jnp.float32),
        scratch_types=[
            pltpu.VMEM((EPW,), jnp.int32),
            pltpu.VMEM((EPW,), jnp.float32),
            pltpu.VMEM((NPAD,), jnp.float32),
            pltpu.VMEM_SHARED((NS, NPAD), jnp.float32),
            pltpu.VMEM((SLICE,), jnp.float32),
            pltpu.VMEM((SLICE,), jnp.float32),
        ],
    )(_scatter_body)
    return k(dst2, ind2)


def _combine_body(p_ref, out_ref):
    p = p_ref[...]
    m = jnp.maximum(p[0:1, :], p[1:2, :])
    out_ref[...] = (m > 0.5).astype(jnp.float32)


def _combine(partials):
    return pl.pallas_call(
        _combine_body,
        grid=(1,),
        in_specs=[pl.BlockSpec((NC, NPAD), lambda i: (0, 0))],
        out_specs=pl.BlockSpec((1, NPAD), lambda i: (0, 0)),
        out_shape=jax.ShapeDtypeStruct((1, NPAD), jnp.float32),
    )(partials)


def kernel(x, edge_index, edge_attr, W1, b1, W2, b2):
    x = x.astype(jnp.float32)
    edge_attr = edge_attr.astype(jnp.float32)
    src = edge_index[0].astype(jnp.int32)
    dst = edge_index[1].astype(jnp.int32)

    w1a = W1[:D]
    w1b = W1[D:2 * D]
    w1c = W1[2 * D:]
    w2d = (W2[:, 1] - W2[:, 0]).reshape(H, 1)
    b2d = b2[1] - b2[0]

    eye4 = jnp.eye(4, dtype=jnp.float32)
    w1c4 = jnp.kron(eye4, w1c)
    w240 = jnp.kron(eye4, W2[:, 0:1])
    w241 = jnp.kron(eye4, W2[:, 1:2])
    w2d4 = jnp.kron(eye4, w2d)
    b1t = jnp.tile(b1, 4).reshape(1, 128)
    bs = jnp.stack([b2[0], b2[1], b2d, b2d]).reshape(1, 4)

    xs, xd = _project_nodes(x, w1a, w1b)

    src4 = src.reshape(4, NW, NPCH, PCHUNK)
    dst4 = dst.reshape(4, NW, NPCH, PCHUNK)
    gs5, gd5 = _gather_edges(xs, xd, src4, dst4)
    gs_p = gs5.reshape(M, 128)
    gd_p = gd5.reshape(M, 128)
    ea4 = edge_attr.reshape(4, M, DE).transpose(1, 0, 2).reshape(M, 4 * DE)

    p0t, p1t, indt = _edge_mlp(gs_p, gd_p, ea4,
                               w1c4, b1t, w240, w241, w2d4, bs)
    edge_pred = jnp.stack([p0t.reshape(E), p1t.reshape(E)], axis=1)

    dst2 = dst.reshape(NW, EPW)
    ind2 = indt.reshape(NW, EPW)
    partials = _segment_any(dst2, ind2)

    matched01 = _combine(partials)
    matched = matched01[0, :N] != 0.0
    return edge_pred, matched

# --- scband reference (transcript-rebuilt; emitter-appended) ---
"""Pipeline reference for scband-iterative-edge-model-89300960018540 (READ-ONLY COPY).

The authoritative reference and input builder live on the scoring server;
editing this copy changes nothing except your own understanding.
"""

import jax, jax.numpy as jnp
import numpy as np

N = 10000
E = 320000
D = 128
DE = 16
H = 32

def setup_inputs(seed: int = 0) -> dict:
    key = jax.random.key(seed)
    ks = jax.random.split(key, 5)
    x = jax.random.normal(ks[0], (N, D), dtype=jnp.float32)
    edge_index = jax.random.randint(ks[1], (2, E), 0, N)
    edge_attr = jax.random.normal(ks[2], (E, DE), dtype=jnp.float32)
    W1 = jax.random.normal(ks[3], (2 * D + DE, H), dtype=jnp.float32) * 0.05
    b1 = jnp.zeros((H,), dtype=jnp.float32)
    W2 = jax.random.normal(ks[4], (H, 2), dtype=jnp.float32) * 0.05
    b2 = jnp.zeros((2,), dtype=jnp.float32)
    return {"x": x, "edge_index": edge_index, "edge_attr": edge_attr,
            "W1": W1, "b1": b1, "W2": W2, "b2": b2}

def reference(x, edge_index, edge_attr, W1, b1, W2, b2):
    # Core GNN edge-prediction kernel of IterativeEdgeModel:
    # gather endpoint node features for each bipartite edge, concat with
    # edge features, run edge MLP -> 2-channel edge logits ('edge_pred').
    src = jnp.take(x, edge_index[0], axis=0)
    dst = jnp.take(x, edge_index[1], axis=0)
    h = jnp.concatenate([src, dst, edge_attr], axis=1)
    h = jax.nn.relu(h @ W1 + b1)
    edge_pred = h @ W2 + b2
    # Assignment step (assign_clusters): per-destination max softmax score
    # via segment_max over the dst index of the incidence matrix.
    scores = jax.nn.softmax(edge_pred, axis=1)[:, 1]
    best_score = jax.ops.segment_max(scores, edge_index[1], num_segments=N)
    matched = best_score > 0.9
    return edge_pred, matched

if __name__ == "__main__":
    import jax
    _d = setup_inputs()
    print(jax.jit(kernel)(*tuple(_d.values())))

</pallas_src>

<mosaic_0001>
#map = affine_map<(d0, d1) -> (0, 0)>
module attributes {stable_mosaic.version = 14 : i64} {
  func.func @_scatter_body(%arg0: i32, %arg1: i32, %arg2: memref<32x10000xi32, #tpu.memory_space<hbm>>, %arg3: memref<32x10000xf32, #tpu.memory_space<hbm>>, %arg4: memref<2x10240xf32, #tpu.memory_space<hbm>>, %arg5: memref<10000xi32, #tpu.memory_space<vmem>>, %arg6: memref<10000xf32, #tpu.memory_space<vmem>>, %arg7: memref<10240xf32, #tpu.memory_space<vmem>>, %arg8: memref<16x10240xf32, #tpu.memory_space<vmem_shared>>, %arg9: memref<640xf32, #tpu.memory_space<vmem>>, %arg10: memref<640xf32, #tpu.memory_space<vmem>>) attributes {dimension_semantics = [#tpu.dimension_semantics<core_parallel>, #tpu.dimension_semantics<subcore_parallel>], iteration_bounds = array<i64: 2, 16>, scalar_prefetch = 0 : i64, scratch_operands = 6 : i64, tpu.core_type = #tpu.core_type<sc_vector_subcore>, window_params = [{transform_indices = #map}, {transform_indices = #map}, {transform_indices = #map}]} {
    %mul3A = arith.constant 2 : i32
    %mul3A_0 = arith.muli %arg1, %mul3A : i32
    %add3A = arith.addi %mul3A_0, %arg0 : i32
    "tpu.region"() ({
      %run_scoped3A = tpu.sem_alloc : memref<!tpu.dma_semaphore, #tpu.memory_space<semaphore_mem>>
      %dma_start3A = arith.constant 0 : i32
      %dma_start3A_29 = tpu.memref_slice %arg2[%add3A, %dma_start3A] : memref<32x10000xi32, #tpu.memory_space<hbm>> -> memref<1x10000xi32, #tpu.memory_space<hbm>>
      %dma_start3A_30 = tpu.memref_squeeze %dma_start3A_29 : memref<1x10000xi32, #tpu.memory_space<hbm>> -> memref<10000xi32, #tpu.memory_space<hbm>>
      %dma_start3A_31 = arith.constant 0 : i32
      %dma_start3A_32 = tpu.memref_slice %arg2[%add3A, %dma_start3A_31] : memref<32x10000xi32, #tpu.memory_space<hbm>> -> memref<1x10000xi32, #tpu.memory_space<hbm>>
      %dma_start3A_33 = tpu.memref_squeeze %dma_start3A_32 : memref<1x10000xi32, #tpu.memory_space<hbm>> -> memref<10000xi32, #tpu.memory_space<hbm>>
      tpu.enqueue_dma source(%dma_start3A_33 : memref<10000xi32, #tpu.memory_space<hbm>>) target(%arg5 : memref<10000xi32, #tpu.memory_space<vmem>>) target_semaphore(%run_scoped3A : memref<!tpu.dma_semaphore, #tpu.memory_space<semaphore_mem>>)
      %dma_wait3A = arith.constant 0 : i32
      %dma_wait3A_34 = tpu.memref_slice %arg2[%add3A, %dma_wait3A] : memref<32x10000xi32, #tpu.memory_space<hbm>> -> memref<1x10000xi32, #tpu.memory_space<hbm>>
      %dma_wait3A_35 = tpu.memref_squeeze %dma_wait3A_34 : memref<1x10000xi32, #tpu.memory_space<hbm>> -> memref<10000xi32, #tpu.memory_space<hbm>>
      %dma_wait3A_36 = arith.constant 0 : i32
      %dma_wait3A_37 = tpu.memref_slice %arg2[%add3A, %dma_wait3A_36] : memref<32x10000xi32, #tpu.memory_space<hbm>> -> memref<1x10000xi32, #tpu.memory_space<hbm>>
      %dma_wait3A_38 = tpu.memref_squeeze %dma_wait3A_37 : memref<1x10000xi32, #tpu.memory_space<hbm>> -> memref<10000xi32, #tpu.memory_space<hbm>>
      tpu.wait_dma2 semaphore(%run_scoped3A : memref<!tpu.dma_semaphore, #tpu.memory_space<semaphore_mem>>) src(%dma_wait3A_38 : memref<10000xi32, #tpu.memory_space<hbm>>) dst(%arg5 : memref<10000xi32, #tpu.memory_space<vmem>>)
      tpu.yield
    }) : () -> ()
    "tpu.region"() ({
      %run_scoped3A = tpu.sem_alloc : memref<!tpu.dma_semaphore, #tpu.memory_space<semaphore_mem>>
      %dma_start3A = arith.constant 0 : i32
      %dma_start3A_29 = tpu.memref_slice %arg3[%add3A, %dma_start3A] : memref<32x10000xf32, #tpu.memory_space<hbm>> -> memref<1x10000xf32, #tpu.memory_space<hbm>>
      %dma_start3A_30 = tpu.memref_squeeze %dma_start3A_29 : memref<1x10000xf32, #tpu.memory_space<hbm>> -> memref<10000xf32, #tpu.memory_space<hbm>>
      %dma_start3A_31 = arith.constant 0 : i32
      %dma_start3A_32 = tpu.memref_slice %arg3[%add3A, %dma_start3A_31] : memref<32x10000xf32, #tpu.memory_space<hbm>> -> memref<1x10000xf32, #tpu.memory_space<hbm>>
      %dma_start3A_33 = tpu.memref_squeeze %dma_start3A_32 : memref<1x10000xf32, #tpu.memory_space<hbm>> -> memref<10000xf32, #tpu.memory_space<hbm>>
      tpu.enqueue_dma source(%dma_start3A_33 : memref<10000xf32, #tpu.memory_space<hbm>>) target(%arg6 : memref<10000xf32, #tpu.memory_space<vmem>>) target_semaphore(%run_scoped3A : memref<!tpu.dma_semaphore, #tpu.memory_space<semaphore_mem>>)
      %dma_wait3A = arith.constant 0 : i32
      %dma_wait3A_34 = tpu.memref_slice %arg3[%add3A, %dma_wait3A] : memref<32x10000xf32, #tpu.memory_space<hbm>> -> memref<1x10000xf32, #tpu.memory_space<hbm>>
      %dma_wait3A_35 = tpu.memref_squeeze %dma_wait3A_34 : memref<1x10000xf32, #tpu.memory_space<hbm>> -> memref<10000xf32, #tpu.memory_space<hbm>>
      %dma_wait3A_36 = arith.constant 0 : i32
      %dma_wait3A_37 = tpu.memref_slice %arg3[%add3A, %dma_wait3A_36] : memref<32x10000xf32, #tpu.memory_space<hbm>> -> memref<1x10000xf32, #tpu.memory_space<hbm>>
      %dma_wait3A_38 = tpu.memref_squeeze %dma_wait3A_37 : memref<1x10000xf32, #tpu.memory_space<hbm>> -> memref<10000xf32, #tpu.memory_space<hbm>>
      tpu.wait_dma2 semaphore(%run_scoped3A : memref<!tpu.dma_semaphore, #tpu.memory_space<semaphore_mem>>) src(%dma_wait3A_38 : memref<10000xf32, #tpu.memory_space<hbm>>) dst(%arg6 : memref<10000xf32, #tpu.memory_space<vmem>>)
      tpu.yield
    }) : () -> ()
    %broadcast_in_dim3A = arith.constant 0.000000e+00 : f32
    %broadcast_in_dim3A_1 = vector.broadcast %broadcast_in_dim3A : f32 to vector<16xf32>
    %broadcast_in_dim3A_2 = arith.constant 1.000000e+00 : f32
    %broadcast_in_dim3A_3 = vector.broadcast %broadcast_in_dim3A_2 : f32 to vector<16xf32>
    %scan3A = arith.constant 0 : i32
    %scan3A_4 = arith.constant 0 : i32
    %scan3A_5 = arith.constant 640 : i32
    %scan3A_6 = arith.addi %scan3A_4, %scan3A_5 : i32
    %scan3A_7 = arith.constant 1 : i32
    scf.for %scan3A_29 = %scan3A_4 to %scan3A_6 step %scan3A_7  : i32 {
      %mul3A_30 = arith.constant 16 : i32
      %mul3A_31 = arith.muli %scan3A_29, %mul3A_30 : i32
      %swap3A = arith.index_cast %mul3A_31 : i32 to index
      %swap3A_32 = tpu.vector_load %arg7[%swap3A] {strides = array<i32>} : memref<10240xf32, #tpu.memory_space<vmem>>, vector<16xf32>,
      tpu.vector_store %arg7[%swap3A], %broadcast_in_dim3A_1 {strides = array<i32>} : memref<10240xf32, #tpu.memory_space<vmem>>, vector<16xf32>,
    }
    %scan3A_8 = arith.constant 640 : i32
    %scan3A_9 = arith.constant 0 : i32
    %scan3A_10 = arith.constant 0 : i32
    %scan3A_11 = arith.constant 625 : i32
    %scan3A_12 = arith.addi %scan3A_10, %scan3A_11 : i32
    %scan3A_13 = arith.constant 1 : i32
    scf.for %scan3A_29 = %scan3A_10 to %scan3A_12 step %scan3A_13  : i32 {
      %mul3A_30 = arith.constant 16 : i32
      %mul3A_31 = arith.muli %scan3A_29, %mul3A_30 : i32
      %get3A = arith.index_cast %mul3A_31 : i32 to index
      %get3A_32 = tpu.vector_load %arg5[%get3A] {strides = array<i32>} : memref<10000xi32, #tpu.memory_space<vmem>>, vector<16xi32>,
      %mul3A_33 = arith.constant 16 : i32
      %mul3A_34 = arith.muli %scan3A_29, %mul3A_33 : i32
      %get3A_35 = arith.index_cast %mul3A_34 : i32 to index
      %get3A_36 = tpu.vector_load %arg6[%get3A_35] {strides = array<i32>} : memref<10000xf32, #tpu.memory_space<vmem>>, vector<16xf32>,
      %gt3A = arith.constant 5.000000e-01 : f32
      %gt3A_37 = vector.broadcast %gt3A : f32 to vector<16xf32>
      %gt3A_38 = arith.cmpf ogt, %get3A_36, %gt3A_37 : vector<16xf32>
      tpu.vector_store_idx %arg7[%get3A_32], %broadcast_in_dim3A_3 masked %gt3A_38 : memref<10240xf32, #tpu.memory_space<vmem>>[vector<16xi32>], vector<16xf32>, vector<16xi1>
    }
    %scan3A_14 = arith.constant 625 : i32
    "tpu.region"() ({
      %run_scoped3A = tpu.sem_alloc : memref<!tpu.dma_semaphore, #tpu.memory_space<semaphore_mem>>
      %dma_start3A = arith.constant 0 : i32
      %dma_start3A_29 = tpu.memref_slice %arg8[%arg1, %dma_start3A] : memref<16x10240xf32, #tpu.memory_space<vmem_shared>> -> memref<1x10240xf32, #tpu.memory_space<vmem_shared>>
      %dma_start3A_30 = tpu.memref_squeeze %dma_start3A_29 : memref<1x10240xf32, #tpu.memory_space<vmem_shared>> -> memref<10240xf32, #tpu.memory_space<vmem_shared>>
      %dma_start3A_31 = arith.constant 0 : i32
      %dma_start3A_32 = tpu.memref_slice %arg8[%arg1, %dma_start3A_31] : memref<16x10240xf32, #tpu.memory_space<vmem_shared>> -> memref<1x10240xf32, #tpu.memory_space<vmem_shared>>
      %dma_start3A_33 = tpu.memref_squeeze %dma_start3A_32 : memref<1x10240xf32, #tpu.memory_space<vmem_shared>> -> memref<10240xf32, #tpu.memory_space<vmem_shared>>
      tpu.enqueue_dma source(%arg7 : memref<10240xf32, #tpu.memory_space<vmem>>) target(%dma_start3A_33 : memref<10240xf32, #tpu.memory_space<vmem_shared>>) target_semaphore(%run_scoped3A : memref<!tpu.dma_semaphore, #tpu.memory_space<semaphore_mem>>)
      %dma_wait3A = arith.constant 0 : i32
      %dma_wait3A_34 = tpu.memref_slice %arg8[%arg1, %dma_wait3A] : memref<16x10240xf32, #tpu.memory_space<vmem_shared>> -> memref<1x10240xf32, #tpu.memory_space<vmem_shared>>
      %dma_wait3A_35 = tpu.memref_squeeze %dma_wait3A_34 : memref<1x10240xf32, #tpu.memory_space<vmem_shared>> -> memref<10240xf32, #tpu.memory_space<vmem_shared>>
      %dma_wait3A_36 = arith.constant 0 : i32
      %dma_wait3A_37 = tpu.memref_slice %arg8[%arg1, %dma_wait3A_36] : memref<16x10240xf32, #tpu.memory_space<vmem_shared>> -> memref<1x10240xf32, #tpu.memory_space<vmem_shared>>
      %dma_wait3A_38 = tpu.memref_squeeze %dma_wait3A_37 : memref<1x10240xf32, #tpu.memory_space<vmem_shared>> -> memref<10240xf32, #tpu.memory_space<vmem_shared>>
      tpu.wait_dma2 semaphore(%run_scoped3A : memref<!tpu.dma_semaphore, #tpu.memory_space<semaphore_mem>>) src(%arg7 : memref<10240xf32, #tpu.memory_space<vmem>>) dst(%dma_wait3A_38 : memref<10240xf32, #tpu.memory_space<vmem_shared>>)
      tpu.yield
    }) : () -> ()
    %barrier3A = arith.constant 0 : index
    tpu.barrier barrier_id(%barrier3A)
    %mul3A_15 = arith.constant 640 : i32
    %mul3A_16 = arith.muli %arg1, %mul3A_15 : i32
    %scan3A_17 = arith.constant 0 : i32
    %scan3A_18 = arith.constant 0 : i32
    %scan3A_19 = arith.constant 40 : i32
    %scan3A_20 = arith.addi %scan3A_18, %scan3A_19 : i32
    %scan3A_21 = arith.constant 1 : i32
    scf.for %scan3A_29 = %scan3A_18 to %scan3A_20 step %scan3A_21  : i32 {
      %mul3A_30 = arith.constant 16 : i32
      %mul3A_31 = arith.muli %scan3A_29, %mul3A_30 : i32
      %swap3A = arith.index_cast %mul3A_31 : i32 to index
      %swap3A_32 = tpu.vector_load %arg10[%swap3A] {strides = array<i32>} : memref<640xf32, #tpu.memory_space<vmem>>, vector<16xf32>,
      tpu.vector_store %arg10[%swap3A], %broadcast_in_dim3A_1 {strides = array<i32>} : memref<640xf32, #tpu.memory_space<vmem>>, vector<16xf32>,
    }
    %scan3A_22 = arith.constant 40 : i32
    %scan3A_23 = arith.constant 0 : i32
    %scan3A_24 = arith.constant 0 : i32
    %scan3A_25 = arith.constant 16 : i32
    %scan3A_26 = arith.addi %scan3A_24, %scan3A_25 : i32
    %scan3A_27 = arith.constant 1 : i32
    scf.for %scan3A_29 = %scan3A_24 to %scan3A_26 step %scan3A_27  : i32 {
      "tpu.region"() ({
        %run_scoped3A = tpu.sem_alloc : memref<!tpu.dma_semaphore, #tpu.memory_space<semaphore_mem>>
        %dma_start3A = tpu.memref_slice %arg8[%scan3A_29, %mul3A_16] : memref<16x10240xf32, #tpu.memory_space<vmem_shared>> -> memref<1x640xf32, #tpu.memory_space<vmem_shared>>
        %dma_start3A_36 = tpu.memref_squeeze %dma_start3A : memref<1x640xf32, #tpu.memory_space<vmem_shared>> -> memref<640xf32, #tpu.memory_space<vmem_shared>>
        %dma_start3A_37 = tpu.memref_slice %arg8[%scan3A_29, %mul3A_16] : memref<16x10240xf32, #tpu.memory_space<vmem_shared>> -> memref<1x640xf32, #tpu.memory_space<vmem_shared>>
        %dma_start3A_38 = tpu.memref_squeeze %dma_start3A_37 : memref<1x640xf32, #tpu.memory_space<vmem_shared>> -> memref<640xf32, #tpu.memory_space<vmem_shared>>
        tpu.enqueue_dma source(%dma_start3A_38 : memref<640xf32, #tpu.memory_space<vmem_shared>>) target(%arg9 : memref<640xf32, #tpu.memory_space<vmem>>) target_semaphore(%run_scoped3A : memref<!tpu.dma_semaphore, #tpu.memory_space<semaphore_mem>>)
        %dma_wait3A = tpu.memref_slice %arg8[%scan3A_29, %mul3A_16] : memref<16x10240xf32, #tpu.memory_space<vmem_shared>> -> memref<1x640xf32, #tpu.memory_space<vmem_shared>>
        %dma_wait3A_39 = tpu.memref_squeeze %dma_wait3A : memref<1x640xf32, #tpu.memory_space<vmem_shared>> -> memref<640xf32, #tpu.memory_space<vmem_shared>>
        %dma_wait3A_40 = tpu.memref_slice %arg8[%scan3A_29, %mul3A_16] : memref<16x10240xf32, #tpu.memory_space<vmem_shared>> -> memref<1x640xf32, #tpu.memory_space<vmem_shared>>
        %dma_wait3A_41 = tpu.memref_squeeze %dma_wait3A_40 : memref<1x640xf32, #tpu.memory_space<vmem_shared>> -> memref<640xf32, #tpu.memory_space<vmem_shared>>
        tpu.wait_dma2 semaphore(%run_scoped3A : memref<!tpu.dma_semaphore, #tpu.memory_space<semaphore_mem>>) src(%dma_wait3A_41 : memref<640xf32, #tpu.memory_space<vmem_shared>>) dst(%arg9 : memref<640xf32, #tpu.memory_space<vmem>>)
        tpu.yield
      }) : () -> ()
      %scan3A_30 = arith.constant 0 : i32
      %scan3A_31 = arith.constant 0 : i32
      %scan3A_32 = arith.constant 40 : i32
      %scan3A_33 = arith.addi %scan3A_31, %scan3A_32 : i32
      %scan3A_34 = arith.constant 1 : i32
      scf.for %scan3A_36 = %scan3A_31 to %scan3A_33 step %scan3A_34  : i32 {
        %mul3A_37 = arith.constant 16 : i32
        %mul3A_38 = arith.muli %scan3A_36, %mul3A_37 : i32
        %get3A = arith.index_cast %mul3A_38 : i32 to index
        %get3A_39 = tpu.vector_load %arg10[%get3A] {strides = array<i32>} : memref<640xf32, #tpu.memory_space<vmem>>, vector<16xf32>,
        %get3A_40 = arith.index_cast %mul3A_38 : i32 to index
        %get3A_41 = tpu.vector_load %arg9[%get3A_40] {strides = array<i32>} : memref<640xf32, #tpu.memory_space<vmem>>, vector<16xf32>,
        %max3A = arith.maximumf %get3A_39, %get3A_41 : vector<16xf32>
        %swap3A = arith.index_cast %mul3A_38 : i32 to index
        %swap3A_42 = tpu.vector_load %arg10[%swap3A] {strides = array<i32>} : memref<640xf32, #tpu.memory_space<vmem>>, vector<16xf32>,
        tpu.vector_store %arg10[%swap3A], %max3A {strides = array<i32>} : memref<640xf32, #tpu.memory_space<vmem>>, vector<16xf32>,
      }
      %scan3A_35 = arith.constant 40 : i32
    }
    %scan3A_28 = arith.constant 16 : i32
    "tpu.region"() ({
      %run_scoped3A = tpu.sem_alloc : memref<!tpu.dma_semaphore, #tpu.memory_space<semaphore_mem>>
      %dma_start3A = tpu.memref_slice %arg4[%arg0, %mul3A_16] : memref<2x10240xf32, #tpu.memory_space<hbm>> -> memref<1x640xf32, #tpu.memory_space<hbm>>
      %dma_start3A_29 = tpu.memref_squeeze %dma_start3A : memref<1x640xf32, #tpu.memory_space<hbm>> -> memref<640xf32, #tpu.memory_space<hbm>>
      %dma_start3A_30 = tpu.memref_slice %arg4[%arg0, %mul3A_16] : memref<2x10240xf32, #tpu.memory_space<hbm>> -> memref<1x640xf32, #tpu.memory_space<hbm>>
      %dma_start3A_31 = tpu.memref_squeeze %dma_start3A_30 : memref<1x640xf32, #tpu.memory_space<hbm>> -> memref<640xf32, #tpu.memory_space<hbm>>
      tpu.enqueue_dma source(%arg10 : memref<640xf32, #tpu.memory_space<vmem>>) target(%dma_start3A_31 : memref<640xf32, #tpu.memory_space<hbm>>) target_semaphore(%run_scoped3A : memref<!tpu.dma_semaphore, #tpu.memory_space<semaphore_mem>>)
      %dma_wait3A = tpu.memref_slice %arg4[%arg0, %mul3A_16] : memref<2x10240xf32, #tpu.memory_space<hbm>> -> memref<1x640xf32, #tpu.memory_space<hbm>>
      %dma_wait3A_32 = tpu.memref_squeeze %dma_wait3A : memref<1x640xf32, #tpu.memory_space<hbm>> -> memref<640xf32, #tpu.memory_space<hbm>>
      %dma_wait3A_33 = tpu.memref_slice %arg4[%arg0, %mul3A_16] : memref<2x10240xf32, #tpu.memory_space<hbm>> -> memref<1x640xf32, #tpu.memory_space<hbm>>
      %dma_wait3A_34 = tpu.memref_squeeze %dma_wait3A_33 : memref<1x640xf32, #tpu.memory_space<hbm>> -> memref<640xf32, #tpu.memory_space<hbm>>
      tpu.wait_dma2 semaphore(%run_scoped3A : memref<!tpu.dma_semaphore, #tpu.memory_space<semaphore_mem>>) src(%arg10 : memref<640xf32, #tpu.memory_space<vmem>>) dst(%dma_wait3A_34 : memref<640xf32, #tpu.memory_space<hbm>>)
      tpu.yield
    }) : () -> ()
    return
  }
}

#map = affine_map<(d0, d1) -> (0, 0)>
#map1 = affine_map<(d0, d1) -> (0, 0, 0, 0)>
#map2 = affine_map<(d0, d1) -> (0, 0, 0, 0, 0)>
module attributes {stable_mosaic.version = 14 : i64} {
  func.func @_gather_body(%arg0: i32, %arg1: i32, %arg2: memref<10000x32xf32, #tpu.memory_space<hbm>>, %arg3: memref<10000x32xf32, #tpu.memory_space<hbm>>, %arg4: memref<4x32x20x125xi32, #tpu.memory_space<hbm>>, %arg5: memref<4x32x20x125xi32, #tpu.memory_space<hbm>>, %arg6: memref<32x20x125x4x32xf32, #tpu.memory_space<hbm>>, %arg7: memref<32x20x125x4x32xf32, #tpu.memory_space<hbm>>, %arg8: memref<4x20x125xi32, #tpu.memory_space<vmem>>, %arg9: memref<4x20x125xi32, #tpu.memory_space<vmem>>, %arg10: memref<2x125x32xf32, #tpu.memory_space<vmem>>, %arg11: memref<2x125x32xf32, #tpu.memory_space<vmem>>, %arg12: memref<!tpu.dma_semaphore, #tpu.memory_space<semaphore_mem>>, %arg13: memref<!tpu.dma_semaphore, #tpu.memory_space<semaphore_mem>>, %arg14: memref<!tpu.dma_semaphore, #tpu.memory_space<semaphore_mem>>, %arg15: memref<!tpu.dma_semaphore, #tpu.memory_space<semaphore_mem>>, %arg16: memref<!tpu.dma_semaphore, #tpu.memory_space<semaphore_mem>>, %arg17: memref<!tpu.dma_semaphore, #tpu.memory_space<semaphore_mem>>, %arg18: memref<!tpu.dma_semaphore, #tpu.memory_space<semaphore_mem>>, %arg19: memref<!tpu.dma_semaphore, #tpu.memory_space<semaphore_mem>>) attributes {dimension_semantics = [#tpu.dimension_semantics<core_parallel>, #tpu.dimension_semantics<subcore_parallel>], iteration_bounds = array<i64: 2, 16>, scalar_prefetch = 0 : i64, scratch_operands = 12 : i64, tpu.core_type = #tpu.core_type<sc_vector_subcore>, window_params = [{transform_indices = #map}, {transform_indices = #map}, {transform_indices = #map1}, {transform_indices = #map1}, {transform_indices = #map2}, {transform_indices = #map2}]} {
    %mul3A = arith.constant 2 : i32
    %mul3A_0 = arith.muli %arg1, %mul3A : i32
    %add3A = arith.addi %mul3A_0, %arg0 : i32
    "tpu.region"() ({
      %run_scoped3A = tpu.sem_alloc : memref<!tpu.dma_semaphore, #tpu.memory_space<semaphore_mem>>
      %dma_start3A = arith.constant 0 : i32
      %dma_start3A_6 = arith.constant 0 : i32
      %dma_start3A_7 = arith.constant 0 : i32
      %dma_start3A_8 = tpu.memref_slice %arg4[%dma_start3A, %add3A, %dma_start3A_6, %dma_start3A_7] : memref<4x32x20x125xi32, #tpu.memory_space<hbm>> -> memref<4x1x20x125xi32, #tpu.memory_space<hbm>>
      %dma_start3A_9 = tpu.memref_squeeze %dma_start3A_8 : memref<4x1x20x125xi32, #tpu.memory_space<hbm>> -> memref<4x20x125xi32, #tpu.memory_space<hbm>>
      %dma_start3A_10 = arith.constant 0 : i32
      %dma_start3A_11 = arith.constant 0 : i32
      %dma_start3A_12 = arith.constant 0 : i32
      %dma_start3A_13 = tpu.memref_slice %arg4[%dma_start3A_10, %add3A, %dma_start3A_11, %dma_start3A_12] : memref<4x32x20x125xi32, #tpu.memory_space<hbm>> -> memref<4x1x20x125xi32, #tpu.memory_space<hbm>>
      %dma_start3A_14 = tpu.memref_squeeze %dma_start3A_13 : memref<4x1x20x125xi32, #tpu.memory_space<hbm>> -> memref<4x20x125xi32, #tpu.memory_space<hbm>>
      tpu.enqueue_dma source(%dma_start3A_14 : memref<4x20x125xi32, #tpu.memory_space<hbm>>) target(%arg8 : memref<4x20x125xi32, #tpu.memory_space<vmem>>) target_semaphore(%run_scoped3A : memref<!tpu.dma_semaphore, #tpu.memory_space<semaphore_mem>>)
      %dma_wait3A = arith.constant 0 : i32
      %dma_wait3A_15 = arith.constant 0 : i32
      %dma_wait3A_16 = arith.constant 0 : i32
      %dma_wait3A_17 = tpu.memref_slice %arg4[%dma_wait3A, %add3A, %dma_wait3A_15, %dma_wait3A_16] : memref<4x32x20x125xi32, #tpu.memory_space<hbm>> -> memref<4x1x20x125xi32, #tpu.memory_space<hbm>>
      %dma_wait3A_18 = tpu.memref_squeeze %dma_wait3A_17 : memref<4x1x20x125xi32, #tpu.memory_space<hbm>> -> memref<4x20x125xi32, #tpu.memory_space<hbm>>
      %dma_wait3A_19 = arith.constant 0 : i32
      %dma_wait3A_20 = arith.constant 0 : i32
      %dma_wait3A_21 = arith.constant 0 : i32
      %dma_wait3A_22 = tpu.memref_slice %arg4[%dma_wait3A_19, %add3A, %dma_wait3A_20, %dma_wait3A_21] : memref<4x32x20x125xi32, #tpu.memory_space<hbm>> -> memref<4x1x20x125xi32, #tpu.memory_space<hbm>>
      %dma_wait3A_23 = tpu.memref_squeeze %dma_wait3A_22 : memref<4x1x20x125xi32, #tpu.memory_space<hbm>> -> memref<4x20x125xi32, #tpu.memory_space<hbm>>
      tpu.wait_dma2 semaphore(%run_scoped3A : memref<!tpu.dma_semaphore, #tpu.memory_space<semaphore_mem>>) src(%dma_wait3A_23 : memref<4x20x125xi32, #tpu.memory_space<hbm>>) dst(%arg8 : memref<4x20x125xi32, #tpu.memory_space<vmem>>)
      tpu.yield
    }) : () -> ()
    "tpu.region"() ({
      %run_scoped3A = tpu.sem_alloc : memref<!tpu.dma_semaphore, #tpu.memory_space<semaphore_mem>>
      %dma_start3A = arith.constant 0 : i32
      %dma_start3A_6 = arith.constant 0 : i32
      %dma_start3A_7 = arith.constant 0 : i32
      %dma_start3A_8 = tpu.memref_slice %arg5[%dma_start3A, %add3A, %dma_start3A_6, %dma_start3A_7] : memref<4x32x20x125xi32, #tpu.memory_space<hbm>> -> memref<4x1x20x125xi32, #tpu.memory_space<hbm>>
      %dma_start3A_9 = tpu.memref_squeeze %dma_start3A_8 : memref<4x1x20x125xi32, #tpu.memory_space<hbm>> -> memref<4x20x125xi32, #tpu.memory_space<hbm>>
      %dma_start3A_10 = arith.constant 0 : i32
      %dma_start3A_11 = arith.constant 0 : i32
      %dma_start3A_12 = arith.constant 0 : i32
      %dma_start3A_13 = tpu.memref_slice %arg5[%dma_start3A_10, %add3A, %dma_start3A_11, %dma_start3A_12] : memref<4x32x20x125xi32, #tpu.memory_space<hbm>> -> memref<4x1x20x125xi32, #tpu.memory_space<hbm>>
      %dma_start3A_14 = tpu.memref_squeeze %dma_start3A_13 : memref<4x1x20x125xi32, #tpu.memory_space<hbm>> -> memref<4x20x125xi32, #tpu.memory_space<hbm>>
      tpu.enqueue_dma source(%dma_start3A_14 : memref<4x20x125xi32, #tpu.memory_space<hbm>>) target(%arg9 : memref<4x20x125xi32, #tpu.memory_space<vmem>>) target_semaphore(%run_scoped3A : memref<!tpu.dma_semaphore, #tpu.memory_space<semaphore_mem>>)
      %dma_wait3A = arith.constant 0 : i32
      %dma_wait3A_15 = arith.constant 0 : i32
      %dma_wait3A_16 = arith.constant 0 : i32
      %dma_wait3A_17 = tpu.memref_slice %arg5[%dma_wait3A, %add3A, %dma_wait3A_15, %dma_wait3A_16] : memref<4x32x20x125xi32, #tpu.memory_space<hbm>> -> memref<4x1x20x125xi32, #tpu.memory_space<hbm>>
      %dma_wait3A_18 = tpu.memref_squeeze %dma_wait3A_17 : memref<4x1x20x125xi32, #tpu.memory_space<hbm>> -> memref<4x20x125xi32, #tpu.memory_space<hbm>>
      %dma_wait3A_19 = arith.constant 0 : i32
      %dma_wait3A_20 = arith.constant 0 : i32
      %dma_wait3A_21 = arith.constant 0 : i32
      %dma_wait3A_22 = tpu.memref_slice %arg5[%dma_wait3A_19, %add3A, %dma_wait3A_20, %dma_wait3A_21] : memref<4x32x20x125xi32, #tpu.memory_space<hbm>> -> memref<4x1x20x125xi32, #tpu.memory_space<hbm>>
      %dma_wait3A_23 = tpu.memref_squeeze %dma_wait3A_22 : memref<4x1x20x125xi32, #tpu.memory_space<hbm>> -> memref<4x20x125xi32, #tpu.memory_space<hbm>>
      tpu.wait_dma2 semaphore(%run_scoped3A : memref<!tpu.dma_semaphore, #tpu.memory_space<semaphore_mem>>) src(%dma_wait3A_23 : memref<4x20x125xi32, #tpu.memory_space<hbm>>) dst(%arg9 : memref<4x20x125xi32, #tpu.memory_space<vmem>>)
      tpu.yield
    }) : () -> ()
    %scan3A = arith.constant 0 : i32
    %scan3A_1 = arith.constant 0 : i32
    %scan3A_2 = arith.constant 20 : i32
    %scan3A_3 = arith.addi %scan3A_1, %scan3A_2 : i32
    %scan3A_4 = arith.constant 1 : i32
    scf.for %scan3A_6 = %scan3A_1 to %scan3A_3 step %scan3A_4  : i32 {
      %dma_start3A = arith.constant 0 : i32
      %dma_start3A_7 = arith.constant 0 : i32
      %dma_start3A_8 = arith.constant 0 : i32
      %dma_start3A_9 = arith.constant 0 : i32
      %dma_start3A_10 = tpu.memref_slice %arg10[%dma_start3A_7, %dma_start3A_8, %dma_start3A_9] : memref<2x125x32xf32, #tpu.memory_space<vmem>> -> memref<1x125x32xf32, #tpu.memory_space<vmem>>
      %dma_start3A_11 = tpu.memref_squeeze %dma_start3A_10 : memref<1x125x32xf32, #tpu.memory_space<vmem>> -> memref<125x32xf32, #tpu.memory_space<vmem>>
      %dma_start3A_12 = arith.constant 0 : i32
      %dma_start3A_13 = tpu.memref_slice %arg8[%dma_start3A, %scan3A_6, %dma_start3A_12] : memref<4x20x125xi32, #tpu.memory_space<vmem>> -> memref<1x1x125xi32, #tpu.memory_space<vmem>>
      %dma_start3A_14 = tpu.memref_squeeze %dma_start3A_13 : memref<1x1x125xi32, #tpu.memory_space<vmem>> -> memref<125xi32, #tpu.memory_space<vmem>>
      %dma_start3A_15 = arith.constant 0 : i32
      %dma_start3A_16 = arith.constant 0 : i32
      %dma_start3A_17 = tpu.memref_slice %arg2[%dma_start3A_15, %dma_start3A_16] : memref<10000x32xf32, #tpu.memory_space<hbm>> -> memref<10000x32xf32, #tpu.memory_space<hbm>>
      tpu.enqueue_indirect_dma source(%dma_start3A_17 : memref<10000x32xf32, #tpu.memory_space<hbm>>) target(%dma_start3A_11 : memref<125x32xf32, #tpu.memory_space<vmem>>) offsets(%dma_start3A_14 : memref<125xi32, #tpu.memory_space<vmem>>) semaphore(%arg12 : memref<!tpu.dma_semaphore, #tpu.memory_space<semaphore_mem>>)
      %dma_start3A_18 = arith.constant 0 : i32
      %dma_start3A_19 = arith.constant 0 : i32
      %dma_start3A_20 = arith.constant 0 : i32
      %dma_start3A_21 = arith.constant 0 : i32
      %dma_start3A_22 = tpu.memref_slice %arg11[%dma_start3A_19, %dma_start3A_20, %dma_start3A_21] : memref<2x125x32xf32, #tpu.memory_space<vmem>> -> memref<1x125x32xf32, #tpu.memory_space<vmem>>
      %dma_start3A_23 = tpu.memref_squeeze %dma_start3A_22 : memref<1x125x32xf32, #tpu.memory_space<vmem>> -> memref<125x32xf32, #tpu.memory_space<vmem>>
      %dma_start3A_24 = arith.constant 0 : i32
      %dma_start3A_25 = tpu.memref_slice %arg9[%dma_start3A_18, %scan3A_6, %dma_start3A_24] : memref<4x20x125xi32, #tpu.memory_space<vmem>> -> memref<1x1x125xi32, #tpu.memory_space<vmem>>
      %dma_start3A_26 = tpu.memref_squeeze %dma_start3A_25 : memref<1x1x125xi32, #tpu.memory_space<vmem>> -> memref<125xi32, #tpu.memory_space<vmem>>
      %dma_start3A_27 = arith.constant 0 : i32
      %dma_start3A_28 = arith.constant 0 : i32
      %dma_start3A_29 = tpu.memref_slice %arg3[%dma_start3A_27, %dma_start3A_28] : memref<10000x32xf32, #tpu.memory_space<hbm>> -> memref<10000x32xf32, #tpu.memory_space<hbm>>
      tpu.enqueue_indirect_dma source(%dma_start3A_29 : memref<10000x32xf32, #tpu.memory_space<hbm>>) target(%dma_start3A_23 : memref<125x32xf32, #tpu.memory_space<vmem>>) offsets(%dma_start3A_26 : memref<125xi32, #tpu.memory_space<vmem>>) semaphore(%arg14 : memref<!tpu.dma_semaphore, #tpu.memory_space<semaphore_mem>>)
      %dma_start3A_30 = arith.constant 1 : i32
      %dma_start3A_31 = arith.constant 1 : i32
      %dma_start3A_32 = arith.constant 0 : i32
      %dma_start3A_33 = arith.constant 0 : i32
      %dma_start3A_34 = tpu.memref_slice %arg10[%dma_start3A_31, %dma_start3A_32, %dma_start3A_33] : memref<2x125x32xf32, #tpu.memory_space<vmem>> -> memref<1x125x32xf32, #tpu.memory_space<vmem>>
      %dma_start3A_35 = tpu.memref_squeeze %dma_start3A_34 : memref<1x125x32xf32, #tpu.memory_space<vmem>> -> memref<125x32xf32, #tpu.memory_space<vmem>>
      %dma_start3A_36 = arith.constant 0 : i32
      %dma_start3A_37 = tpu.memref_slice %arg8[%dma_start3A_30, %scan3A_6, %dma_start3A_36] : memref<4x20x125xi32, #tpu.memory_space<vmem>> -> memref<1x1x125xi32, #tpu.memory_space<vmem>>
      %dma_start3A_38 = tpu.memref_squeeze %dma_start3A_37 : memref<1x1x125xi32, #tpu.memory_space<vmem>> -> memref<125xi32, #tpu.memory_space<vmem>>
      %dma_start3A_39 = arith.constant 0 : i32
      %dma_start3A_40 = arith.constant 0 : i32
      %dma_start3A_41 = tpu.memref_slice %arg2[%dma_start3A_39, %dma_start3A_40] : memref<10000x32xf32, #tpu.memory_space<hbm>> -> memref<10000x32xf32, #tpu.memory_space<hbm>>
      tpu.enqueue_indirect_dma source(%dma_start3A_41 : memref<10000x32xf32, #tpu.memory_space<hbm>>) target(%dma_start3A_35 : memref<125x32xf32, #tpu.memory_space<vmem>>) offsets(%dma_start3A_38 : memref<125xi32, #tpu.memory_space<vmem>>) semaphore(%arg13 : memref<!tpu.dma_semaphore, #tpu.memory_space<semaphore_mem>>)
      %dma_start3A_42 = arith.constant 1 : i32
      %dma_start3A_43 = arith.constant 1 : i32
      %dma_start3A_44 = arith.constant 0 : i32
      %dma_start3A_45 = arith.constant 0 : i32
      %dma_start3A_46 = tpu.memref_slice %arg11[%dma_start3A_43, %dma_start3A_44, %dma_start3A_45] : memref<2x125x32xf32, #tpu.memory_space<vmem>> -> memref<1x125x32xf32, #tpu.memory_space<vmem>>
      %dma_start3A_47 = tpu.memref_squeeze %dma_start3A_46 : memref<1x125x32xf32, #tpu.memory_space<vmem>> -> memref<125x32xf32, #tpu.memory_space<vmem>>
      %dma_start3A_48 = arith.constant 0 : i32
      %dma_start3A_49 = tpu.memref_slice %arg9[%dma_start3A_42, %scan3A_6, %dma_start3A_48] : memref<4x20x125xi32, #tpu.memory_space<vmem>> -> memref<1x1x125xi32, #tpu.memory_space<vmem>>
      %dma_start3A_50 = tpu.memref_squeeze %dma_start3A_49 : memref<1x1x125xi32, #tpu.memory_space<vmem>> -> memref<125xi32, #tpu.memory_space<vmem>>
      %dma_start3A_51 = arith.constant 0 : i32
      %dma_start3A_52 = arith.constant 0 : i32
      %dma_start3A_53 = tpu.memref_slice %arg3[%dma_start3A_51, %dma_start3A_52] : memref<10000x32xf32, #tpu.memory_space<hbm>> -> memref<10000x32xf32, #tpu.memory_space<hbm>>
      tpu.enqueue_indirect_dma source(%dma_start3A_53 : memref<10000x32xf32, #tpu.memory_space<hbm>>) target(%dma_start3A_47 : memref<125x32xf32, #tpu.memory_space<vmem>>) offsets(%dma_start3A_50 : memref<125xi32, #tpu.memory_space<vmem>>) semaphore(%arg15 : memref<!tpu.dma_semaphore, #tpu.memory_space<semaphore_mem>>)
      %dma_wait3A = arith.constant 0 : i32
      %dma_wait3A_54 = arith.constant 0 : i32
      %dma_wait3A_55 = arith.constant 0 : i32
      %dma_wait3A_56 = arith.constant 0 : i32
      %dma_wait3A_57 = tpu.memref_slice %arg10[%dma_wait3A_54, %dma_wait3A_55, %dma_wait3A_56] : memref<2x125x32xf32, #tpu.memory_space<vmem>> -> memref<1x125x32xf32, #tpu.memory_space<vmem>>
      %dma_wait3A_58 = tpu.memref_squeeze %dma_wait3A_57 : memref<1x125x32xf32, #tpu.memory_space<vmem>> -> memref<125x32xf32, #tpu.memory_space<vmem>>
      %dma_wait3A_59 = arith.constant 0 : i32
      %dma_wait3A_60 = tpu.memref_slice %arg8[%dma_wait3A, %scan3A_6, %dma_wait3A_59] : memref<4x20x125xi32, #tpu.memory_space<vmem>> -> memref<1x1x125xi32, #tpu.memory_space<vmem>>
      %dma_wait3A_61 = tpu.memref_squeeze %dma_wait3A_60 : memref<1x1x125xi32, #tpu.memory_space<vmem>> -> memref<125xi32, #tpu.memory_space<vmem>>
      %dma_wait3A_62 = arith.constant 0 : i32
      %dma_wait3A_63 = arith.constant 0 : i32
      %dma_wait3A_64 = tpu.memref_slice %arg2[%dma_wait3A_62, %dma_wait3A_63] : memref<10000x32xf32, #tpu.memory_space<hbm>> -> memref<10000x32xf32, #tpu.memory_space<hbm>>
      tpu.wait_indirect_dma semaphore(%arg12 : memref<!tpu.dma_semaphore, #tpu.memory_space<semaphore_mem>>) src(%dma_wait3A_64 : memref<10000x32xf32, #tpu.memory_space<hbm>>) dst(%dma_wait3A_58 : memref<125x32xf32, #tpu.memory_space<vmem>>)
      %dma_wait3A_65 = arith.constant 0 : i32
      %dma_wait3A_66 = arith.constant 0 : i32
      %dma_wait3A_67 = arith.constant 0 : i32
      %dma_wait3A_68 = arith.constant 0 : i32
      %dma_wait3A_69 = tpu.memref_slice %arg11[%dma_wait3A_66, %dma_wait3A_67, %dma_wait3A_68] : memref<2x125x32xf32, #tpu.memory_space<vmem>> -> memref<1x125x32xf32, #tpu.memory_space<vmem>>
      %dma_wait3A_70 = tpu.memref_squeeze %dma_wait3A_69 : memref<1x125x32xf32, #tpu.memory_space<vmem>> -> memref<125x32xf32, #tpu.memory_space<vmem>>
      %dma_wait3A_71 = arith.constant 0 : i32
      %dma_wait3A_72 = tpu.memref_slice %arg9[%dma_wait3A_65, %scan3A_6, %dma_wait3A_71] : memref<4x20x125xi32, #tpu.memory_space<vmem>> -> memref<1x1x125xi32, #tpu.memory_space<vmem>>
      %dma_wait3A_73 = tpu.memref_squeeze %dma_wait3A_72 : memref<1x1x125xi32, #tpu.memory_space<vmem>> -> memref<125xi32, #tpu.memory_space<vmem>>
      %dma_wait3A_74 = arith.constant 0 : i32
      %dma_wait3A_75 = arith.constant 0 : i32
      %dma_wait3A_76 = tpu.memref_slice %arg3[%dma_wait3A_74, %dma_wait3A_75] : memref<10000x32xf32, #tpu.memory_space<hbm>> -> memref<10000x32xf32, #tpu.memory_space<hbm>>
      tpu.wait_indirect_dma semaphore(%arg14 : memref<!tpu.dma_semaphore, #tpu.memory_space<semaphore_mem>>) src(%dma_wait3A_76 : memref<10000x32xf32, #tpu.memory_space<hbm>>) dst(%dma_wait3A_70 : memref<125x32xf32, #tpu.memory_space<vmem>>)
      %dma_start3A_77 = arith.constant 0 : i32
      %dma_start3A_78 = arith.constant 0 : i32
      %dma_start3A_79 = arith.constant 0 : i32
      %dma_start3A_80 = arith.constant 0 : i32
      %dma_start3A_81 = tpu.memref_slice %arg10[%dma_start3A_77, %dma_start3A_79, %dma_start3A_80] : memref<2x125x32xf32, #tpu.memory_space<vmem>> -> memref<1x125x32xf32, #tpu.memory_space<vmem>>
      %dma_start3A_82 = tpu.memref_squeeze %dma_start3A_81 : memref<1x125x32xf32, #tpu.memory_space<vmem>> -> memref<125x32xf32, #tpu.memory_space<vmem>>
      %dma_start3A_83 = arith.constant 0 : i32
      %dma_start3A_84 = arith.constant 0 : i32
      %dma_start3A_85 = tpu.memref_slice %arg6[%add3A, %scan3A_6, %dma_start3A_83, %dma_start3A_78, %dma_start3A_84] : memref<32x20x125x4x32xf32, #tpu.memory_space<hbm>> -> memref<1x1x125x1x32xf32, #tpu.memory_space<hbm>>
      %dma_start3A_86 = tpu.memref_squeeze %dma_start3A_85 : memref<1x1x125x1x32xf32, #tpu.memory_space<hbm>> -> memref<125x32xf32, #tpu.memory_space<hbm>>
      %dma_start3A_87 = arith.constant 0 : i32
      %dma_start3A_88 = arith.constant 0 : i32
      %dma_start3A_89 = tpu.memref_slice %arg6[%add3A, %scan3A_6, %dma_start3A_87, %dma_start3A_78, %dma_start3A_88] : memref<32x20x125x4x32xf32, #tpu.memory_space<hbm>> -> memref<1x1x125x1x32xf32, #tpu.memory_space<hbm>>
      %dma_start3A_90 = tpu.memref_squeeze %dma_start3A_89 : memref<1x1x125x1x32xf32, #tpu.memory_space<hbm>> -> memref<125x32xf32, #tpu.memory_space<hbm>>
      %dma_start3A_91 = arith.constant 0 : i32
      %dma_start3A_92 = arith.constant 0 : i32
      %dma_start3A_93 = tpu.memref_slice %arg10[%dma_start3A_77, %dma_start3A_91, %dma_start3A_92] : memref<2x125x32xf32, #tpu.memory_space<vmem>> -> memref<1x125x32xf32, #tpu.memory_space<vmem>>
      %dma_start3A_94 = tpu.memref_squeeze %dma_start3A_93 : memref<1x125x32xf32, #tpu.memory_space<vmem>> -> memref<125x32xf32, #tpu.memory_space<vmem>>
      tpu.enqueue_dma source(%dma_start3A_94 : memref<125x32xf32, #tpu.memory_space<vmem>>) target(%dma_start3A_90 : memref<125x32xf32, #tpu.memory_space<hbm>>) target_semaphore(%arg16 : memref<!tpu.dma_semaphore, #tpu.memory_space<semaphore_mem>>)
      %dma_start3A_95 = arith.constant 0 : i32
      %dma_start3A_96 = arith.constant 0 : i32
      %dma_start3A_97 = arith.constant 0 : i32
      %dma_start3A_98 = arith.constant 0 : i32
      %dma_start3A_99 = tpu.memref_slice %arg11[%dma_start3A_95, %dma_start3A_97, %dma_start3A_98] : memref<2x125x32xf32, #tpu.memory_space<vmem>> -> memref<1x125x32xf32, #tpu.memory_space<vmem>>
      %dma_start3A_100 = tpu.memref_squeeze %dma_start3A_99 : memref<1x125x32xf32, #tpu.memory_space<vmem>> -> memref<125x32xf32, #tpu.memory_space<vmem>>
      %dma_start3A_101 = arith.constant 0 : i32
      %dma_start3A_102 = arith.constant 0 : i32
      %dma_start3A_103 = tpu.memref_slice %arg7[%add3A, %scan3A_6, %dma_start3A_101, %dma_start3A_96, %dma_start3A_102] : memref<32x20x125x4x32xf32, #tpu.memory_space<hbm>> -> memref<1x1x125x1x32xf32, #tpu.memory_space<hbm>>
      %dma_start3A_104 = tpu.memref_squeeze %dma_start3A_103 : memref<1x1x125x1x32xf32, #tpu.memory_space<hbm>> -> memref<125x32xf32, #tpu.memory_space<hbm>>
      %dma_start3A_105 = arith.constant 0 : i32
      %dma_start3A_106 = arith.constant 0 : i32
      %dma_start3A_107 = tpu.memref_slice %arg7[%add3A, %scan3A_6, %dma_start3A_105, %dma_start3A_96, %dma_start3A_106] : memref<32x20x125x4x32xf32, #tpu.memory_space<hbm>> -> memref<1x1x125x1x32xf32, #tpu.memory_space<hbm>>
      %dma_start3A_108 = tpu.memref_squeeze %dma_start3A_107 : memref<1x1x125x1x32xf32, #tpu.memory_space<hbm>> -> memref<125x32xf32, #tpu.memory_space<hbm>>
      %dma_start3A_109 = arith.constant 0 : i32
      %dma_start3A_110 = arith.constant 0 : i32
      %dma_start3A_111 = tpu.memref_slice %arg11[%dma_start3A_95, %dma_start3A_109, %dma_start3A_110] : memref<2x125x32xf32, #tpu.memory_space<vmem>> -> memref<1x125x32xf32, #tpu.memory_space<vmem>>
      %dma_start3A_112 = tpu.memref_squeeze %dma_start3A_111 : memref<1x125x32xf32, #tpu.memory_space<vmem>> -> memref<125x32xf32, #tpu.memory_space<vmem>>
      tpu.enqueue_dma source(%dma_start3A_112 : memref<125x32xf32, #tpu.memory_space<vmem>>) target(%dma_start3A_108 : memref<125x32xf32, #tpu.memory_space<hbm>>) target_semaphore(%arg18 : memref<!tpu.dma_semaphore, #tpu.memory_space<semaphore_mem>>)
      %dma_wait3A_113 = arith.constant 0 : i32
      %dma_wait3A_114 = arith.constant 0 : i32
      %dma_wait3A_115 = arith.constant 0 : i32
      %dma_wait3A_116 = arith.constant 0 : i32
      %dma_wait3A_117 = tpu.memref_slice %arg10[%dma_wait3A_113, %dma_wait3A_115, %dma_wait3A_116] : memref<2x125x32xf32, #tpu.memory_space<vmem>> -> memref<1x125x32xf32, #tpu.memory_space<vmem>>
      %dma_wait3A_118 = tpu.memref_squeeze %dma_wait3A_117 : memref<1x125x32xf32, #tpu.memory_space<vmem>> -> memref<125x32xf32, #tpu.memory_space<vmem>>
      %dma_wait3A_119 = arith.constant 0 : i32
      %dma_wait3A_120 = arith.constant 0 : i32
      %dma_wait3A_121 = tpu.memref_slice %arg6[%add3A, %scan3A_6, %dma_wait3A_119, %dma_wait3A_114, %dma_wait3A_120] : memref<32x20x125x4x32xf32, #tpu.memory_space<hbm>> -> memref<1x1x125x1x32xf32, #tpu.memory_space<hbm>>
      %dma_wait3A_122 = tpu.memref_squeeze %dma_wait3A_121 : memref<1x1x125x1x32xf32, #tpu.memory_space<hbm>> -> memref<125x32xf32, #tpu.memory_space<hbm>>
      %dma_wait3A_123 = arith.constant 0 : i32
      %dma_wait3A_124 = arith.constant 0 : i32
      %dma_wait3A_125 = tpu.memref_slice %arg6[%add3A, %scan3A_6, %dma_wait3A_123, %dma_wait3A_114, %dma_wait3A_124] : memref<32x20x125x4x32xf32, #tpu.memory_space<hbm>> -> memref<1x1x125x1x32xf32, #tpu.memory_space<hbm>>
      %dma_wait3A_126 = tpu.memref_squeeze %dma_wait3A_125 : memref<1x1x125x1x32xf32, #tpu.memory_space<hbm>> -> memref<125x32xf32, #tpu.memory_space<hbm>>
      %dma_wait3A_127 = arith.constant 0 : i32
      %dma_wait3A_128 = arith.constant 0 : i32
      %dma_wait3A_129 = tpu.memref_slice %arg10[%dma_wait3A_113, %dma_wait3A_127, %dma_wait3A_128] : memref<2x125x32xf32, #tpu.memory_space<vmem>> -> memref<1x125x32xf32, #tpu.memory_space<vmem>>
      %dma_wait3A_130 = tpu.memref_squeeze %dma_wait3A_129 : memref<1x125x32xf32, #tpu.memory_space<vmem>> -> memref<125x32xf32, #tpu.memory_space<vmem>>
      tpu.wait_dma2 semaphore(%arg16 : memref<!tpu.dma_semaphore, #tpu.memory_space<semaphore_mem>>) src(%dma_wait3A_130 : memref<125x32xf32, #tpu.memory_space<vmem>>) dst(%dma_wait3A_126 : memref<125x32xf32, #tpu.memory_space<hbm>>)
      %dma_wait3A_131 = arith.constant 0 : i32
      %dma_wait3A_132 = arith.constant 0 : i32
      %dma_wait3A_133 = arith.constant 0 : i32
      %dma_wait3A_134 = arith.constant 0 : i32
      %dma_wait3A_135 = tpu.memref_slice %arg11[%dma_wait3A_131, %dma_wait3A_133, %dma_wait3A_134] : memref<2x125x32xf32, #tpu.memory_space<vmem>> -> memref<1x125x32xf32, #tpu.memory_space<vmem>>
      %dma_wait3A_136 = tpu.memref_squeeze %dma_wait3A_135 : memref<1x125x32xf32, #tpu.memory_space<vmem>> -> memref<125x32xf32, #tpu.memory_space<vmem>>
      %dma_wait3A_137 = arith.constant 0 : i32
      %dma_wait3A_138 = arith.constant 0 : i32
      %dma_wait3A_139 = tpu.memref_slice %arg7[%add3A, %scan3A_6, %dma_wait3A_137, %dma_wait3A_132, %dma_wait3A_138] : memref<32x20x125x4x32xf32, #tpu.memory_space<hbm>> -> memref<1x1x125x1x32xf32, #tpu.memory_space<hbm>>
      %dma_wait3A_140 = tpu.memref_squeeze %dma_wait3A_139 : memref<1x1x125x1x32xf32, #tpu.memory_space<hbm>> -> memref<125x32xf32, #tpu.memory_space<hbm>>
      %dma_wait3A_141 = arith.constant 0 : i32
      %dma_wait3A_142 = arith.constant 0 : i32
      %dma_wait3A_143 = tpu.memref_slice %arg7[%add3A, %scan3A_6, %dma_wait3A_141, %dma_wait3A_132, %dma_wait3A_142] : memref<32x20x125x4x32xf32, #tpu.memory_space<hbm>> -> memref<1x1x125x1x32xf32, #tpu.memory_space<hbm>>
      %dma_wait3A_144 = tpu.memref_squeeze %dma_wait3A_143 : memref<1x1x125x1x32xf32, #tpu.memory_space<hbm>> -> memref<125x32xf32, #tpu.memory_space<hbm>>
      %dma_wait3A_145 = arith.constant 0 : i32
      %dma_wait3A_146 = arith.constant 0 : i32
      %dma_wait3A_147 = tpu.memref_slice %arg11[%dma_wait3A_131, %dma_wait3A_145, %dma_wait3A_146] : memref<2x125x32xf32, #tpu.memory_space<vmem>> -> memref<1x125x32xf32, #tpu.memory_space<vmem>>
      %dma_wait3A_148 = tpu.memref_squeeze %dma_wait3A_147 : memref<1x125x32xf32, #tpu.memory_space<vmem>> -> memref<125x32xf32, #tpu.memory_space<vmem>>
      tpu.wait_dma2 semaphore(%arg18 : memref<!tpu.dma_semaphore, #tpu.memory_space<semaphore_mem>>) src(%dma_wait3A_148 : memref<125x32xf32, #tpu.memory_space<vmem>>) dst(%dma_wait3A_144 : memref<125x32xf32, #tpu.memory_space<hbm>>)
      %dma_start3A_149 = arith.constant 2 : i32
      %dma_start3A_150 = arith.constant 0 : i32
      %dma_start3A_151 = arith.constant 0 : i32
      %dma_start3A_152 = arith.constant 0 : i32
      %dma_start3A_153 = tpu.memref_slice %arg10[%dma_start3A_150, %dma_start3A_151, %dma_start3A_152] : memref<2x125x32xf32, #tpu.memory_space<vmem>> -> memref<1x125x32xf32, #tpu.memory_space<vmem>>
      %dma_start3A_154 = tpu.memref_squeeze %dma_start3A_153 : memref<1x125x32xf32, #tpu.memory_space<vmem>> -> memref<125x32xf32, #tpu.memory_space<vmem>>
      %dma_start3A_155 = arith.constant 0 : i32
      %dma_start3A_156 = tpu.memref_slice %arg8[%dma_start3A_149, %scan3A_6, %dma_start3A_155] : memref<4x20x125xi32, #tpu.memory_space<vmem>> -> memref<1x1x125xi32, #tpu.memory_space<vmem>>
      %dma_start3A_157 = tpu.memref_squeeze %dma_start3A_156 : memref<1x1x125xi32, #tpu.memory_space<vmem>> -> memref<125xi32, #tpu.memory_space<vmem>>
      %dma_start3A_158 = arith.constant 0 : i32
      %dma_start3A_159 = arith.constant 0 : i32
      %dma_start3A_160 = tpu.memref_slice %arg2[%dma_start3A_158, %dma_start3A_159] : memref<10000x32xf32, #tpu.memory_space<hbm>> -> memref<10000x32xf32, #tpu.memory_space<hbm>>
      tpu.enqueue_indirect_dma source(%dma_start3A_160 : memref<10000x32xf32, #tpu.memory_space<hbm>>) target(%dma_start3A_154 : memref<125x32xf32, #tpu.memory_space<vmem>>) offsets(%dma_start3A_157 : memref<125xi32, #tpu.memory_space<vmem>>) semaphore(%arg12 : memref<!tpu.dma_semaphore, #tpu.memory_space<semaphore_mem>>)
      %dma_start3A_161 = arith.constant 2 : i32
      %dma_start3A_162 = arith.constant 0 : i32
      %dma_start3A_163 = arith.constant 0 : i32
      %dma_start3A_164 = arith.constant 0 : i32
      %dma_start3A_165 = tpu.memref_slice %arg11[%dma_start3A_162, %dma_start3A_163, %dma_start3A_164] : memref<2x125x32xf32, #tpu.memory_space<vmem>> -> memref<1x125x32xf32, #tpu.memory_space<vmem>>
      %dma_start3A_166 = tpu.memref_squeeze %dma_start3A_165 : memref<1x125x32xf32, #tpu.memory_space<vmem>> -> memref<125x32xf32, #tpu.memory_space<vmem>>
      %dma_start3A_167 = arith.constant 0 : i32
      %dma_start3A_168 = tpu.memref_slice %arg9[%dma_start3A_161, %scan3A_6, %dma_start3A_167] : memref<4x20x125xi32, #tpu.memory_space<vmem>> -> memref<1x1x125xi32, #tpu.memory_space<vmem>>
      %dma_start3A_169 = tpu.memref_squeeze %dma_start3A_168 : memref<1x1x125xi32, #tpu.memory_space<vmem>> -> memref<125xi32, #tpu.memory_space<vmem>>
      %dma_start3A_170 = arith.constant 0 : i32
      %dma_start3A_171 = arith.constant 0 : i32
      %dma_start3A_172 = tpu.memref_slice %arg3[%dma_start3A_170, %dma_start3A_171] : memref<10000x32xf32, #tpu.memory_space<hbm>> -> memref<10000x32xf32, #tpu.memory_space<hbm>>
      tpu.enqueue_indirect_dma source(%dma_start3A_172 : memref<10000x32xf32, #tpu.memory_space<hbm>>) target(%dma_start3A_166 : memref<125x32xf32, #tpu.memory_space<vmem>>) offsets(%dma_start3A_169 : memref<125xi32, #tpu.memory_space<vmem>>) semaphore(%arg14 : memref<!tpu.dma_semaphore, #tpu.memory_space<semaphore_mem>>)
      %dma_wait3A_173 = arith.constant 1 : i32
      %dma_wait3A_174 = arith.constant 1 : i32
      %dma_wait3A_175 = arith.constant 0 : i32
      %dma_wait3A_176 = arith.constant 0 : i32
      %dma_wait3A_177 = tpu.memref_slice %arg10[%dma_wait3A_174, %dma_wait3A_175, %dma_wait3A_176] : memref<2x125x32xf32, #tpu.memory_space<vmem>> -> memref<1x125x32xf32, #tpu.memory_space<vmem>>
      %dma_wait3A_178 = tpu.memref_squeeze %dma_wait3A_177 : memref<1x125x32xf32, #tpu.memory_space<vmem>> -> memref<125x32xf32, #tpu.memory_space<vmem>>
      %dma_wait3A_179 = arith.constant 0 : i32
      %dma_wait3A_180 = tpu.memref_slice %arg8[%dma_wait3A_173, %scan3A_6, %dma_wait3A_179] : memref<4x20x125xi32, #tpu.memory_space<vmem>> -> memref<1x1x125xi32, #tpu.memory_space<vmem>>
      %dma_wait3A_181 = tpu.memref_squeeze %dma_wait3A_180 : memref<1x1x125xi32, #tpu.memory_space<vmem>> -> memref<125xi32, #tpu.memory_space<vmem>>
      %dma_wait3A_182 = arith.constant 0 : i32
      %dma_wait3A_183 = arith.constant 0 : i32
      %dma_wait3A_184 = tpu.memref_slice %arg2[%dma_wait3A_182, %dma_wait3A_183] : memref<10000x32xf32, #tpu.memory_space<hbm>> -> memref<10000x32xf32, #tpu.memory_space<hbm>>
      tpu.wait_indirect_dma semaphore(%arg13 : memref<!tpu.dma_semaphore, #tpu.memory_space<semaphore_mem>>) src(%dma_wait3A_184 : memref<10000x32xf32, #tpu.memory_space<hbm>>) dst(%dma_wait3A_178 : memref<125x32xf32, #tpu.memory_space<vmem>>)
      %dma_wait3A_185 = arith.constant 1 : i32
      %dma_wait3A_186 = arith.constant 1 : i32
      %dma_wait3A_187 = arith.constant 0 : i32
      %dma_wait3A_188 = arith.constant 0 : i32
      %dma_wait3A_189 = tpu.memref_slice %arg11[%dma_wait3A_186, %dma_wait3A_187, %dma_wait3A_188] : memref<2x125x32xf32, #tpu.memory_space<vmem>> -> memref<1x125x32xf32, #tpu.memory_space<vmem>>
      %dma_wait3A_190 = tpu.memref_squeeze %dma_wait3A_189 : memref<1x125x32xf32, #tpu.memory_space<vmem>> -> memref<125x32xf32, #tpu.memory_space<vmem>>
      %dma_wait3A_191 = arith.constant 0 : i32
      %dma_wait3A_192 = tpu.memref_slice %arg9[%dma_wait3A_185, %scan3A_6, %dma_wait3A_191] : memref<4x20x125xi32, #tpu.memory_space<vmem>> -> memref<1x1x125xi32, #tpu.memory_space<vmem>>
      %dma_wait3A_193 = tpu.memref_squeeze %dma_wait3A_192 : memref<1x1x125xi32, #tpu.memory_space<vmem>> -> memref<125xi32, #tpu.memory_space<vmem>>
      %dma_wait3A_194 = arith.constant 0 : i32
      %dma_wait3A_195 = arith.constant 0 : i32
      %dma_wait3A_196 = tpu.memref_slice %arg3[%dma_wait3A_194, %dma_wait3A_195] : memref<10000x32xf32, #tpu.memory_space<hbm>> -> memref<10000x32xf32, #tpu.memory_space<hbm>>
      tpu.wait_indirect_dma semaphore(%arg15 : memref<!tpu.dma_semaphore, #tpu.memory_space<semaphore_mem>>) src(%dma_wait3A_196 : memref<10000x32xf32, #tpu.memory_space<hbm>>) dst(%dma_wait3A_190 : memref<125x32xf32, #tpu.memory_space<vmem>>)
      %dma_start3A_197 = arith.constant 1 : i32
      %dma_start3A_198 = arith.constant 1 : i32
      %dma_start3A_199 = arith.constant 0 : i32
      %dma_start3A_200 = arith.constant 0 : i32
      %dma_start3A_201 = tpu.memref_slice %arg10[%dma_start3A_197, %dma_start3A_199, %dma_start3A_200] : memref<2x125x32xf32, #tpu.memory_space<vmem>> -> memref<1x125x32xf32, #tpu.memory_space<vmem>>
      %dma_start3A_202 = tpu.memref_squeeze %dma_start3A_201 : memref<1x125x32xf32, #tpu.memory_space<vmem>> -> memref<125x32xf32, #tpu.memory_space<vmem>>
      %dma_start3A_203 = arith.constant 0 : i32
      %dma_start3A_204 = arith.constant 0 : i32
      %dma_start3A_205 = tpu.memref_slice %arg6[%add3A, %scan3A_6, %dma_start3A_203, %dma_start3A_198, %dma_start3A_204] : memref<32x20x125x4x32xf32, #tpu.memory_space<hbm>> -> memref<1x1x125x1x32xf32, #tpu.memory_space<hbm>>
      %dma_start3A_206 = tpu.memref_squeeze %dma_start3A_205 : memref<1x1x125x1x32xf32, #tpu.memory_space<hbm>> -> memref<125x32xf32, #tpu.memory_space<hbm>>
      %dma_start3A_207 = arith.constant 0 : i32
      %dma_start3A_208 = arith.constant 0 : i32
      %dma_start3A_209 = tpu.memref_slice %arg6[%add3A, %scan3A_6, %dma_start3A_207, %dma_start3A_198, %dma_start3A_208] : memref<32x20x125x4x32xf32, #tpu.memory_space<hbm>> -> memref<1x1x125x1x32xf32, #tpu.memory_space<hbm>>
      %dma_start3A_210 = tpu.memref_squeeze %dma_start3A_209 : memref<1x1x125x1x32xf32, #tpu.memory_space<hbm>> -> memref<125x32xf32, #tpu.memory_space<hbm>>
      %dma_start3A_211 = arith.constant 0 : i32
      %dma_start3A_212 = arith.constant 0 : i32
      %dma_start3A_213 = tpu.memref_slice %arg10[%dma_start3A_197, %dma_start3A_211, %dma_start3A_212] : memref<2x125x32xf32, #tpu.memory_space<vmem>> -> memref<1x125x32xf32, #tpu.memory_space<vmem>>
      %dma_start3A_214 = tpu.memref_squeeze %dma_start3A_213 : memref<1x125x32xf32, #tpu.memory_space<vmem>> -> memref<125x32xf32, #tpu.memory_space<vmem>>
      tpu.enqueue_dma source(%dma_start3A_214 : memref<125x32xf32, #tpu.memory_space<vmem>>) target(%dma_start3A_210 : memref<125x32xf32, #tpu.memory_space<hbm>>) target_semaphore(%arg17 : memref<!tpu.dma_semaphore, #tpu.memory_space<semaphore_mem>>)
      %dma_start3A_215 = arith.constant 1 : i32
      %dma_start3A_216 = arith.constant 1 : i32
      %dma_start3A_217 = arith.constant 0 : i32
      %dma_start3A_218 = arith.constant 0 : i32
      %dma_start3A_219 = tpu.memref_slice %arg11[%dma_start3A_215, %dma_start3A_217, %dma_start3A_218] : memref<2x125x32xf32, #tpu.memory_space<vmem>> -> memref<1x125x32xf32, #tpu.memory_space<vmem>>
      %dma_start3A_220 = tpu.memref_squeeze %dma_start3A_219 : memref<1x125x32xf32, #tpu.memory_space<vmem>> -> memref<125x32xf32, #tpu.memory_space<vmem>>
      %dma_start3A_221 = arith.constant 0 : i32
      %dma_start3A_222 = arith.constant 0 : i32
      %dma_start3A_223 = tpu.memref_slice %arg7[%add3A, %scan3A_6, %dma_start3A_221, %dma_start3A_216, %dma_start3A_222] : memref<32x20x125x4x32xf32, #tpu.memory_space<hbm>> -> memref<1x1x125x1x32xf32, #tpu.memory_space<hbm>>
      %dma_start3A_224 = tpu.memref_squeeze %dma_start3A_223 : memref<1x1x125x1x32xf32, #tpu.memory_space<hbm>> -> memref<125x32xf32, #tpu.memory_space<hbm>>
      %dma_start3A_225 = arith.constant 0 : i32
      %dma_start3A_226 = arith.constant 0 : i32
      %dma_start3A_227 = tpu.memref_slice %arg7[%add3A, %scan3A_6, %dma_start3A_225, %dma_start3A_216, %dma_start3A_226] : memref<32x20x125x4x32xf32, #tpu.memory_space<hbm>> -> memref<1x1x125x1x32xf32, #tpu.memory_space<hbm>>
      %dma_start3A_228 = tpu.memref_squeeze %dma_start3A_227 : memref<1x1x125x1x32xf32, #tpu.memory_space<hbm>> -> memref<125x32xf32, #tpu.memory_space<hbm>>
      %dma_start3A_229 = arith.constant 0 : i32
      %dma_start3A_230 = arith.constant 0 : i32
      %dma_start3A_231 = tpu.memref_slice %arg11[%dma_start3A_215, %dma_start3A_229, %dma_start3A_230] : memref<2x125x32xf32, #tpu.memory_space<vmem>> -> memref<1x125x32xf32, #tpu.memory_space<vmem>>
      %dma_start3A_232 = tpu.memref_squeeze %dma_start3A_231 : memref<1x125x32xf32, #tpu.memory_space<vmem>> -> memref<125x32xf32, #tpu.memory_space<vmem>>
      tpu.enqueue_dma source(%dma_start3A_232 : memref<125x32xf32, #tpu.memory_space<vmem>>) target(%dma_start3A_228 : memref<125x32xf32, #tpu.memory_space<hbm>>) target_semaphore(%arg19 : memref<!tpu.dma_semaphore, #tpu.memory_space<semaphore_mem>>)
      %dma_wait3A_233 = arith.constant 1 : i32
      %dma_wait3A_234 = arith.constant 1 : i32
      %dma_wait3A_235 = arith.constant 0 : i32
      %dma_wait3A_236 = arith.constant 0 : i32
      %dma_wait3A_237 = tpu.memref_slice %arg10[%dma_wait3A_233, %dma_wait3A_235, %dma_wait3A_236] : memref<2x125x32xf32, #tpu.memory_space<vmem>> -> memref<1x125x32xf32, #tpu.memory_space<vmem>>
      %dma_wait3A_238 = tpu.memref_squeeze %dma_wait3A_237 : memref<1x125x32xf32, #tpu.memory_space<vmem>> -> memref<125x32xf32, #tpu.memory_space<vmem>>
      %dma_wait3A_239 = arith.constant 0 : i32
      %dma_wait3A_240 = arith.constant 0 : i32
      %dma_wait3A_241 = tpu.memref_slice %arg6[%add3A, %scan3A_6, %dma_wait3A_239, %dma_wait3A_234, %dma_wait3A_240] : memref<32x20x125x4x32xf32, #tpu.memory_space<hbm>> -> memref<1x1x125x1x32xf32, #tpu.memory_space<hbm>>
      %dma_wait3A_242 = tpu.memref_squeeze %dma_wait3A_241 : memref<1x1x125x1x32xf32, #tpu.memory_space<hbm>> -> memref<125x32xf32, #tpu.memory_space<hbm>>
      %dma_wait3A_243 = arith.constant 0 : i32
      %dma_wait3A_244 = arith.constant 0 : i32
      %dma_wait3A_245 = tpu.memref_slice %arg6[%add3A, %scan3A_6, %dma_wait3A_243, %dma_wait3A_234, %dma_wait3A_244] : memref<32x20x125x4x32xf32, #tpu.memory_space<hbm>> -> memref<1x1x125x1x32xf32, #tpu.memory_space<hbm>>
      %dma_wait3A_246 = tpu.memref_squeeze %dma_wait3A_245 : memref<1x1x125x1x32xf32, #tpu.memory_space<hbm>> -> memref<125x32xf32, #tpu.memory_space<hbm>>
      %dma_wait3A_247 = arith.constant 0 : i32
      %dma_wait3A_248 = arith.constant 0 : i32
      %dma_wait3A_249 = tpu.memref_slice %arg10[%dma_wait3A_233, %dma_wait3A_247, %dma_wait3A_248] : memref<2x125x32xf32, #tpu.memory_space<vmem>> -> memref<1x125x32xf32, #tpu.memory_space<vmem>>
      %dma_wait3A_250 = tpu.memref_squeeze %dma_wait3A_249 : memref<1x125x32xf32, #tpu.memory_space<vmem>> -> memref<125x32xf32, #tpu.memory_space<vmem>>
      tpu.wait_dma2 semaphore(%arg17 : memref<!tpu.dma_semaphore, #tpu.memory_space<semaphore_mem>>) src(%dma_wait3A_250 : memref<125x32xf32, #tpu.memory_space<vmem>>) dst(%dma_wait3A_246 : memref<125x32xf32, #tpu.memory_space<hbm>>)
      %dma_wait3A_251 = arith.constant 1 : i32
      %dma_wait3A_252 = arith.constant 1 : i32
      %dma_wait3A_253 = arith.constant 0 : i32
      %dma_wait3A_254 = arith.constant 0 : i32
      %dma_wait3A_255 = tpu.memref_slice %arg11[%dma_wait3A_251, %dma_wait3A_253, %dma_wait3A_254] : memref<2x125x32xf32, #tpu.memory_space<vmem>> -> memref<1x125x32xf32, #tpu.memory_space<vmem>>
      %dma_wait3A_256 = tpu.memref_squeeze %dma_wait3A_255 : memref<1x125x32xf32, #tpu.memory_space<vmem>> -> memref<125x32xf32, #tpu.memory_space<vmem>>
      %dma_wait3A_257 = arith.constant 0 : i32
      %dma_wait3A_258 = arith.constant 0 : i32
      %dma_wait3A_259 = tpu.memref_slice %arg7[%add3A, %scan3A_6, %dma_wait3A_257, %dma_wait3A_252, %dma_wait3A_258] : memref<32x20x125x4x32xf32, #tpu.memory_space<hbm>> -> memref<1x1x125x1x32xf32, #tpu.memory_space<hbm>>
      %dma_wait3A_260 = tpu.memref_squeeze %dma_wait3A_259 : memref<1x1x125x1x32xf32, #tpu.memory_space<hbm>> -> memref<125x32xf32, #tpu.memory_space<hbm>>
      %dma_wait3A_261 = arith.constant 0 : i32
      %dma_wait3A_262 = arith.constant 0 : i32
      %dma_wait3A_263 = tpu.memref_slice %arg7[%add3A, %scan3A_6, %dma_wait3A_261, %dma_wait3A_252, %dma_wait3A_262] : memref<32x20x125x4x32xf32, #tpu.memory_space<hbm>> -> memref<1x1x125x1x32xf32, #tpu.memory_space<hbm>>
      %dma_wait3A_264 = tpu.memref_squeeze %dma_wait3A_263 : memref<1x1x125x1x32xf32, #tpu.memory_space<hbm>> -> memref<125x32xf32, #tpu.memory_space<hbm>>
      %dma_wait3A_265 = arith.constant 0 : i32
      %dma_wait3A_266 = arith.constant 0 : i32
      %dma_wait3A_267 = tpu.memref_slice %arg11[%dma_wait3A_251, %dma_wait3A_265, %dma_wait3A_266] : memref<2x125x32xf32, #tpu.memory_space<vmem>> -> memref<1x125x32xf32, #tpu.memory_space<vmem>>
      %dma_wait3A_268 = tpu.memref_squeeze %dma_wait3A_267 : memref<1x125x32xf32, #tpu.memory_space<vmem>> -> memref<125x32xf32, #tpu.memory_space<vmem>>
      tpu.wait_dma2 semaphore(%arg19 : memref<!tpu.dma_semaphore, #tpu.memory_space<semaphore_mem>>) src(%dma_wait3A_268 : memref<125x32xf32, #tpu.memory_space<vmem>>) dst(%dma_wait3A_264 : memref<125x32xf32, #tpu.memory_space<hbm>>)
      %dma_start3A_269 = arith.constant 3 : i32
      %dma_start3A_270 = arith.constant 1 : i32
      %dma_start3A_271 = arith.constant 0 : i32
      %dma_start3A_272 = arith.constant 0 : i32
      %dma_start3A_273 = tpu.memref_slice %arg10[%dma_start3A_270, %dma_start3A_271, %dma_start3A_272] : memref<2x125x32xf32, #tpu.memory_space<vmem>> -> memref<1x125x32xf32, #tpu.memory_space<vmem>>
      %dma_start3A_274 = tpu.memref_squeeze %dma_start3A_273 : memref<1x125x32xf32, #tpu.memory_space<vmem>> -> memref<125x32xf32, #tpu.memory_space<vmem>>
      %dma_start3A_275 = arith.constant 0 : i32
      %dma_start3A_276 = tpu.memref_slice %arg8[%dma_start3A_269, %scan3A_6, %dma_start3A_275] : memref<4x20x125xi32, #tpu.memory_space<vmem>> -> memref<1x1x125xi32, #tpu.memory_space<vmem>>
      %dma_start3A_277 = tpu.memref_squeeze %dma_start3A_276 : memref<1x1x125xi32, #tpu.memory_space<vmem>> -> memref<125xi32, #tpu.memory_space<vmem>>
      %dma_start3A_278 = arith.constant 0 : i32
      %dma_start3A_279 = arith.constant 0 : i32
      %dma_start3A_280 = tpu.memref_slice %arg2[%dma_start3A_278, %dma_start3A_279] : memref<10000x32xf32, #tpu.memory_space<hbm>> -> memref<10000x32xf32, #tpu.memory_space<hbm>>
      tpu.enqueue_indirect_dma source(%dma_start3A_280 : memref<10000x32xf32, #tpu.memory_space<hbm>>) target(%dma_start3A_274 : memref<125x32xf32, #tpu.memory_space<vmem>>) offsets(%dma_start3A_277 : memref<125xi32, #tpu.memory_space<vmem>>) semaphore(%arg13 : memref<!tpu.dma_semaphore, #tpu.memory_space<semaphore_mem>>)
      %dma_start3A_281 = arith.constant 3 : i32
      %dma_start3A_282 = arith.constant 1 : i32
      %dma_start3A_283 = arith.constant 0 : i32
      %dma_start3A_284 = arith.constant 0 : i32
      %dma_start3A_285 = tpu.memref_slice %arg11[%dma_start3A_282, %dma_start3A_283, %dma_start3A_284] : memref<2x125x32xf32, #tpu.memory_space<vmem>> -> memref<1x125x32xf32, #tpu.memory_space<vmem>>
      %dma_start3A_286 = tpu.memref_squeeze %dma_start3A_285 : memref<1x125x32xf32, #tpu.memory_space<vmem>> -> memref<125x32xf32, #tpu.memory_space<vmem>>
      %dma_start3A_287 = arith.constant 0 : i32
      %dma_start3A_288 = tpu.memref_slice %arg9[%dma_start3A_281, %scan3A_6, %dma_start3A_287] : memref<4x20x125xi32, #tpu.memory_space<vmem>> -> memref<1x1x125xi32, #tpu.memory_space<vmem>>
      %dma_start3A_289 = tpu.memref_squeeze %dma_start3A_288 : memref<1x1x125xi32, #tpu.memory_space<vmem>> -> memref<125xi32, #tpu.memory_space<vmem>>
      %dma_start3A_290 = arith.constant 0 : i32
      %dma_start3A_291 = arith.constant 0 : i32
      %dma_start3A_292 = tpu.memref_slice %arg3[%dma_start3A_290, %dma_start3A_291] : memref<10000x32xf32, #tpu.memory_space<hbm>> -> memref<10000x32xf32, #tpu.memory_space<hbm>>
      tpu.enqueue_indirect_dma source(%dma_start3A_292 : memref<10000x32xf32, #tpu.memory_space<hbm>>) target(%dma_start3A_286 : memref<125x32xf32, #tpu.memory_space<vmem>>) offsets(%dma_start3A_289 : memref<125xi32, #tpu.memory_space<vmem>>) semaphore(%arg15 : memref<!tpu.dma_semaphore, #tpu.memory_space<semaphore_mem>>)
      %dma_wait3A_293 = arith.constant 2 : i32
      %dma_wait3A_294 = arith.constant 0 : i32
      %dma_wait3A_295 = arith.constant 0 : i32
      %dma_wait3A_296 = arith.constant 0 : i32
      %dma_wait3A_297 = tpu.memref_slice %arg10[%dma_wait3A_294, %dma_wait3A_295, %dma_wait3A_296] : memref<2x125x32xf32, #tpu.memory_space<vmem>> -> memref<1x125x32xf32, #tpu.memory_space<vmem>>
      %dma_wait3A_298 = tpu.memref_squeeze %dma_wait3A_297 : memref<1x125x32xf32, #tpu.memory_space<vmem>> -> memref<125x32xf32, #tpu.memory_space<vmem>>
      %dma_wait3A_299 = arith.constant 0 : i32
      %dma_wait3A_300 = tpu.memref_slice %arg8[%dma_wait3A_293, %scan3A_6, %dma_wait3A_299] : memref<4x20x125xi32, #tpu.memory_space<vmem>> -> memref<1x1x125xi32, #tpu.memory_space<vmem>>
      %dma_wait3A_301 = tpu.memref_squeeze %dma_wait3A_300 : memref<1x1x125xi32, #tpu.memory_space<vmem>> -> memref<125xi32, #tpu.memory_space<vmem>>
      %dma_wait3A_302 = arith.constant 0 : i32
      %dma_wait3A_303 = arith.constant 0 : i32
      %dma_wait3A_304 = tpu.memref_slice %arg2[%dma_wait3A_302, %dma_wait3A_303] : memref<10000x32xf32, #tpu.memory_space<hbm>> -> memref<10000x32xf32, #tpu.memory_space<hbm>>
      tpu.wait_indirect_dma semaphore(%arg12 : memref<!tpu.dma_semaphore, #tpu.memory_space<semaphore_mem>>) src(%dma_wait3A_304 : memref<10000x32xf32, #tpu.memory_space<hbm>>) dst(%dma_wait3A_298 : memref<125x32xf32, #tpu.memory_space<vmem>>)
      %dma_wait3A_305 = arith.constant 2 : i32
      %dma_wait3A_306 = arith.constant 0 : i32
      %dma_wait3A_307 = arith.constant 0 : i32
      %dma_wait3A_308 = arith.constant 0 : i32
      %dma_wait3A_309 = tpu.memref_slice %arg11[%dma_wait3A_306, %dma_wait3A_307, %dma_wait3A_308] : memref<2x125x32xf32, #tpu.memory_space<vmem>> -> memref<1x125x32xf32, #tpu.memory_space<vmem>>
      %dma_wait3A_310 = tpu.memref_squeeze %dma_wait3A_309 : memref<1x125x32xf32, #tpu.memory_space<vmem>> -> memref<125x32xf32, #tpu.memory_space<vmem>>
      %dma_wait3A_311 = arith.constant 0 : i32
      %dma_wait3A_312 = tpu.memref_slice %arg9[%dma_wait3A_305, %scan3A_6, %dma_wait3A_311] : memref<4x20x125xi32, #tpu.memory_space<vmem>> -> memref<1x1x125xi32, #tpu.memory_space<vmem>>
      %dma_wait3A_313 = tpu.memref_squeeze %dma_wait3A_312 : memref<1x1x125xi32, #tpu.memory_space<vmem>> -> memref<125xi32, #tpu.memory_space<vmem>>
      %dma_wait3A_314 = arith.constant 0 : i32
      %dma_wait3A_315 = arith.constant 0 : i32
      %dma_wait3A_316 = tpu.memref_slice %arg3[%dma_wait3A_314, %dma_wait3A_315] : memref<10000x32xf32, #tpu.memory_space<hbm>> -> memref<10000x32xf32, #tpu.memory_space<hbm>>
      tpu.wait_indirect_dma semaphore(%arg14 : memref<!tpu.dma_semaphore, #tpu.memory_space<semaphore_mem>>) src(%dma_wait3A_316 : memref<10000x32xf32, #tpu.memory_space<hbm>>) dst(%dma_wait3A_310 : memref<125x32xf32, #tpu.memory_space<vmem>>)
      %dma_start3A_317 = arith.constant 0 : i32
      %dma_start3A_318 = arith.constant 2 : i32
      %dma_start3A_319 = arith.constant 0 : i32
      %dma_start3A_320 = arith.constant 0 : i32
      %dma_start3A_321 = tpu.memref_slice %arg10[%dma_start3A_317, %dma_start3A_319, %dma_start3A_320] : memref<2x125x32xf32, #tpu.memory_space<vmem>> -> memref<1x125x32xf32, #tpu.memory_space<vmem>>
      %dma_start3A_322 = tpu.memref_squeeze %dma_start3A_321 : memref<1x125x32xf32, #tpu.memory_space<vmem>> -> memref<125x32xf32, #tpu.memory_space<vmem>>
      %dma_start3A_323 = arith.constant 0 : i32
      %dma_start3A_324 = arith.constant 0 : i32
      %dma_start3A_325 = tpu.memref_slice %arg6[%add3A, %scan3A_6, %dma_start3A_323, %dma_start3A_318, %dma_start3A_324] : memref<32x20x125x4x32xf32, #tpu.memory_space<hbm>> -> memref<1x1x125x1x32xf32, #tpu.memory_space<hbm>>
      %dma_start3A_326 = tpu.memref_squeeze %dma_start3A_325 : memref<1x1x125x1x32xf32, #tpu.memory_space<hbm>> -> memref<125x32xf32, #tpu.memory_space<hbm>>
      %dma_start3A_327 = arith.constant 0 : i32
      %dma_start3A_328 = arith.constant 0 : i32
      %dma_start3A_329 = tpu.memref_slice %arg6[%add3A, %scan3A_6, %dma_start3A_327, %dma_start3A_318, %dma_start3A_328] : memref<32x20x125x4x32xf32, #tpu.memory_space<hbm>> -> memref<1x1x125x1x32xf32, #tpu.memory_space<hbm>>
      %dma_start3A_330 = tpu.memref_squeeze %dma_start3A_329 : memref<1x1x125x1x32xf32, #tpu.memory_space<hbm>> -> memref<125x32xf32, #tpu.memory_space<hbm>>
      %dma_start3A_331 = arith.constant 0 : i32
      %dma_start3A_332 = arith.constant 0 : i32
      %dma_start3A_333 = tpu.memref_slice %arg10[%dma_start3A_317, %dma_start3A_331, %dma_start3A_332] : memref<2x125x32xf32, #tpu.memory_space<vmem>> -> memref<1x125x32xf32, #tpu.memory_space<vmem>>
      %dma_start3A_334 = tpu.memref_squeeze %dma_start3A_333 : memref<1x125x32xf32, #tpu.memory_space<vmem>> -> memref<125x32xf32, #tpu.memory_space<vmem>>
      tpu.enqueue_dma source(%dma_start3A_334 : memref<125x32xf32, #tpu.memory_space<vmem>>) target(%dma_start3A_330 : memref<125x32xf32, #tpu.memory_space<hbm>>) target_semaphore(%arg16 : memref<!tpu.dma_semaphore, #tpu.memory_space<semaphore_mem>>)
      %dma_start3A_335 = arith.constant 0 : i32
      %dma_start3A_336 = arith.constant 2 : i32
      %dma_start3A_337 = arith.constant 0 : i32
      %dma_start3A_338 = arith.constant 0 : i32
      %dma_start3A_339 = tpu.memref_slice %arg11[%dma_start3A_335, %dma_start3A_337, %dma_start3A_338] : memref<2x125x32xf32, #tpu.memory_space<vmem>> -> memref<1x125x32xf32, #tpu.memory_space<vmem>>
      %dma_start3A_340 = tpu.memref_squeeze %dma_start3A_339 : memref<1x125x32xf32, #tpu.memory_space<vmem>> -> memref<125x32xf32, #tpu.memory_space<vmem>>
      %dma_start3A_341 = arith.constant 0 : i32
      %dma_start3A_342 = arith.constant 0 : i32
      %dma_start3A_343 = tpu.memref_slice %arg7[%add3A, %scan3A_6, %dma_start3A_341, %dma_start3A_336, %dma_start3A_342] : memref<32x20x125x4x32xf32, #tpu.memory_space<hbm>> -> memref<1x1x125x1x32xf32, #tpu.memory_space<hbm>>
      %dma_start3A_344 = tpu.memref_squeeze %dma_start3A_343 : memref<1x1x125x1x32xf32, #tpu.memory_space<hbm>> -> memref<125x32xf32, #tpu.memory_space<hbm>>
      %dma_start3A_345 = arith.constant 0 : i32
      %dma_start3A_346 = arith.constant 0 : i32
      %dma_start3A_347 = tpu.memref_slice %arg7[%add3A, %scan3A_6, %dma_start3A_345, %dma_start3A_336, %dma_start3A_346] : memref<32x20x125x4x32xf32, #tpu.memory_space<hbm>> -> memref<1x1x125x1x32xf32, #tpu.memory_space<hbm>>
      %dma_start3A_348 = tpu.memref_squeeze %dma_start3A_347 : memref<1x1x125x1x32xf32, #tpu.memory_space<hbm>> -> memref<125x32xf32, #tpu.memory_space<hbm>>
      %dma_start3A_349 = arith.constant 0 : i32
      %dma_start3A_350 = arith.constant 0 : i32
      %dma_start3A_351 = tpu.memref_slice %arg11[%dma_start3A_335, %dma_start3A_349, %dma_start3A_350] : memref<2x125x32xf32, #tpu.memory_space<vmem>> -> memref<1x125x32xf32, #tpu.memory_space<vmem>>
      %dma_start3A_352 = tpu.memref_squeeze %dma_start3A_351 : memref<1x125x32xf32, #tpu.memory_space<vmem>> -> memref<125x32xf32, #tpu.memory_space<vmem>>
      tpu.enqueue_dma source(%dma_start3A_352 : memref<125x32xf32, #tpu.memory_space<vmem>>) target(%dma_start3A_348 : memref<125x32xf32, #tpu.memory_space<hbm>>) target_semaphore(%arg18 : memref<!tpu.dma_semaphore, #tpu.memory_space<semaphore_mem>>)
      %dma_wait3A_353 = arith.constant 3 : i32
      %dma_wait3A_354 = arith.constant 1 : i32
      %dma_wait3A_355 = arith.constant 0 : i32
      %dma_wait3A_356 = arith.constant 0 : i32
      %dma_wait3A_357 = tpu.memref_slice %arg10[%dma_wait3A_354, %dma_wait3A_355, %dma_wait3A_356] : memref<2x125x32xf32, #tpu.memory_space<vmem>> -> memref<1x125x32xf32, #tpu.memory_space<vmem>>
      %dma_wait3A_358 = tpu.memref_squeeze %dma_wait3A_357 : memref<1x125x32xf32, #tpu.memory_space<vmem>> -> memref<125x32xf32, #tpu.memory_space<vmem>>
      %dma_wait3A_359 = arith.constant 0 : i32
      %dma_wait3A_360 = tpu.memref_slice %arg8[%dma_wait3A_353, %scan3A_6, %dma_wait3A_359] : memref<4x20x125xi32, #tpu.memory_space<vmem>> -> memref<1x1x125xi32, #tpu.memory_space<vmem>>
      %dma_wait3A_361 = tpu.memref_squeeze %dma_wait3A_360 : memref<1x1x125xi32, #tpu.memory_space<vmem>> -> memref<125xi32, #tpu.memory_space<vmem>>
      %dma_wait3A_362 = arith.constant 0 : i32
      %dma_wait3A_363 = arith.constant 0 : i32
      %dma_wait3A_364 = tpu.memref_slice %arg2[%dma_wait3A_362, %dma_wait3A_363] : memref<10000x32xf32, #tpu.memory_space<hbm>> -> memref<10000x32xf32, #tpu.memory_space<hbm>>
      tpu.wait_indirect_dma semaphore(%arg13 : memref<!tpu.dma_semaphore, #tpu.memory_space<semaphore_mem>>) src(%dma_wait3A_364 : memref<10000x32xf32, #tpu.memory_space<hbm>>) dst(%dma_wait3A_358 : memref<125x32xf32, #tpu.memory_space<vmem>>)
      %dma_wait3A_365 = arith.constant 3 : i32
      %dma_wait3A_366 = arith.constant 1 : i32
      %dma_wait3A_367 = arith.constant 0 : i32
      %dma_wait3A_368 = arith.constant 0 : i32
      %dma_wait3A_369 = tpu.memref_slice %arg11[%dma_wait3A_366, %dma_wait3A_367, %dma_wait3A_368] : memref<2x125x32xf32, #tpu.memory_space<vmem>> -> memref<1x125x32xf32, #tpu.memory_space<vmem>>
      %dma_wait3A_370 = tpu.memref_squeeze %dma_wait3A_369 : memref<1x125x32xf32, #tpu.memory_space<vmem>> -> memref<125x32xf32, #tpu.memory_space<vmem>>
      %dma_wait3A_371 = arith.constant 0 : i32
      %dma_wait3A_372 = tpu.memref_slice %arg9[%dma_wait3A_365, %scan3A_6, %dma_wait3A_371] : memref<4x20x125xi32, #tpu.memory_space<vmem>> -> memref<1x1x125xi32, #tpu.memory_space<vmem>>
      %dma_wait3A_373 = tpu.memref_squeeze %dma_wait3A_372 : memref<1x1x125xi32, #tpu.memory_space<vmem>> -> memref<125xi32, #tpu.memory_space<vmem>>
      %dma_wait3A_374 = arith.constant 0 : i32
      %dma_wait3A_375 = arith.constant 0 : i32
      %dma_wait3A_376 = tpu.memref_slice %arg3[%dma_wait3A_374, %dma_wait3A_375] : memref<10000x32xf32, #tpu.memory_space<hbm>> -> memref<10000x32xf32, #tpu.memory_space<hbm>>
      tpu.wait_indirect_dma semaphore(%arg15 : memref<!tpu.dma_semaphore, #tpu.memory_space<semaphore_mem>>) src(%dma_wait3A_376 : memref<10000x32xf32, #tpu.memory_space<hbm>>) dst(%dma_wait3A_370 : memref<125x32xf32, #tpu.memory_space<vmem>>)
      %dma_start3A_377 = arith.constant 1 : i32
      %dma_start3A_378 = arith.constant 3 : i32
      %dma_start3A_379 = arith.constant 0 : i32
      %dma_start3A_380 = arith.constant 0 : i32
      %dma_start3A_381 = tpu.memref_slice %arg10[%dma_start3A_377, %dma_start3A_379, %dma_start3A_380] : memref<2x125x32xf32, #tpu.memory_space<vmem>> -> memref<1x125x32xf32, #tpu.memory_space<vmem>>
      %dma_start3A_382 = tpu.memref_squeeze %dma_start3A_381 : memref<1x125x32xf32, #tpu.memory_space<vmem>> -> memref<125x32xf32, #tpu.memory_space<vmem>>
      %dma_start3A_383 = arith.constant 0 : i32
      %dma_start3A_384 = arith.constant 0 : i32
      %dma_start3A_385 = tpu.memref_slice %arg6[%add3A, %scan3A_6, %dma_start3A_383, %dma_start3A_378, %dma_start3A_384] : memref<32x20x125x4x32xf32, #tpu.memory_space<hbm>> -> memref<1x1x125x1x32xf32, #tpu.memory_space<hbm>>
      %dma_start3A_386 = tpu.memref_squeeze %dma_start3A_385 : memref<1x1x125x1x32xf32, #tpu.memory_space<hbm>> -> memref<125x32xf32, #tpu.memory_space<hbm>>
      %dma_start3A_387 = arith.constant 0 : i32
      %dma_start3A_388 = arith.constant 0 : i32
      %dma_start3A_389 = tpu.memref_slice %arg6[%add3A, %scan3A_6, %dma_start3A_387, %dma_start3A_378, %dma_start3A_388] : memref<32x20x125x4x32xf32, #tpu.memory_space<hbm>> -> memref<1x1x125x1x32xf32, #tpu.memory_space<hbm>>
      %dma_start3A_390 = tpu.memref_squeeze %dma_start3A_389 : memref<1x1x125x1x32xf32, #tpu.memory_space<hbm>> -> memref<125x32xf32, #tpu.memory_space<hbm>>
      %dma_start3A_391 = arith.constant 0 : i32
      %dma_start3A_392 = arith.constant 0 : i32
      %dma_start3A_393 = tpu.memref_slice %arg10[%dma_start3A_377, %dma_start3A_391, %dma_start3A_392] : memref<2x125x32xf32, #tpu.memory_space<vmem>> -> memref<1x125x32xf32, #tpu.memory_space<vmem>>
      %dma_start3A_394 = tpu.memref_squeeze %dma_start3A_393 : memref<1x125x32xf32, #tpu.memory_space<vmem>> -> memref<125x32xf32, #tpu.memory_space<vmem>>
      tpu.enqueue_dma source(%dma_start3A_394 : memref<125x32xf32, #tpu.memory_space<vmem>>) target(%dma_start3A_390 : memref<125x32xf32, #tpu.memory_space<hbm>>) target_semaphore(%arg17 : memref<!tpu.dma_semaphore, #tpu.memory_space<semaphore_mem>>)
      %dma_start3A_395 = arith.constant 1 : i32
      %dma_start3A_396 = arith.constant 3 : i32
      %dma_start3A_397 = arith.constant 0 : i32
      %dma_start3A_398 = arith.constant 0 : i32
      %dma_start3A_399 = tpu.memref_slice %arg11[%dma_start3A_395, %dma_start3A_397, %dma_start3A_398] : memref<2x125x32xf32, #tpu.memory_space<vmem>> -> memref<1x125x32xf32, #tpu.memory_space<vmem>>
      %dma_start3A_400 = tpu.memref_squeeze %dma_start3A_399 : memref<1x125x32xf32, #tpu.memory_space<vmem>> -> memref<125x32xf32, #tpu.memory_space<vmem>>
      %dma_start3A_401 = arith.constant 0 : i32
      %dma_start3A_402 = arith.constant 0 : i32
      %dma_start3A_403 = tpu.memref_slice %arg7[%add3A, %scan3A_6, %dma_start3A_401, %dma_start3A_396, %dma_start3A_402] : memref<32x20x125x4x32xf32, #tpu.memory_space<hbm>> -> memref<1x1x125x1x32xf32, #tpu.memory_space<hbm>>
      %dma_start3A_404 = tpu.memref_squeeze %dma_start3A_403 : memref<1x1x125x1x32xf32, #tpu.memory_space<hbm>> -> memref<125x32xf32, #tpu.memory_space<hbm>>
      %dma_start3A_405 = arith.constant 0 : i32
      %dma_start3A_406 = arith.constant 0 : i32
      %dma_start3A_407 = tpu.memref_slice %arg7[%add3A, %scan3A_6, %dma_start3A_405, %dma_start3A_396, %dma_start3A_406] : memref<32x20x125x4x32xf32, #tpu.memory_space<hbm>> -> memref<1x1x125x1x32xf32, #tpu.memory_space<hbm>>
      %dma_start3A_408 = tpu.memref_squeeze %dma_start3A_407 : memref<1x1x125x1x32xf32, #tpu.memory_space<hbm>> -> memref<125x32xf32, #tpu.memory_space<hbm>>
      %dma_start3A_409 = arith.constant 0 : i32
      %dma_start3A_410 = arith.constant 0 : i32
      %dma_start3A_411 = tpu.memref_slice %arg11[%dma_start3A_395, %dma_start3A_409, %dma_start3A_410] : memref<2x125x32xf32, #tpu.memory_space<vmem>> -> memref<1x125x32xf32, #tpu.memory_space<vmem>>
      %dma_start3A_412 = tpu.memref_squeeze %dma_start3A_411 : memref<1x125x32xf32, #tpu.memory_space<vmem>> -> memref<125x32xf32, #tpu.memory_space<vmem>>
      tpu.enqueue_dma source(%dma_start3A_412 : memref<125x32xf32, #tpu.memory_space<vmem>>) target(%dma_start3A_408 : memref<125x32xf32, #tpu.memory_space<hbm>>) target_semaphore(%arg19 : memref<!tpu.dma_semaphore, #tpu.memory_space<semaphore_mem>>)
      %dma_wait3A_413 = arith.constant 0 : i32
      %dma_wait3A_414 = arith.constant 2 : i32
      %dma_wait3A_415 = arith.constant 0 : i32
      %dma_wait3A_416 = arith.constant 0 : i32
      %dma_wait3A_417 = tpu.memref_slice %arg10[%dma_wait3A_413, %dma_wait3A_415, %dma_wait3A_416] : memref<2x125x32xf32, #tpu.memory_space<vmem>> -> memref<1x125x32xf32, #tpu.memory_space<vmem>>
      %dma_wait3A_418 = tpu.memref_squeeze %dma_wait3A_417 : memref<1x125x32xf32, #tpu.memory_space<vmem>> -> memref<125x32xf32, #tpu.memory_space<vmem>>
      %dma_wait3A_419 = arith.constant 0 : i32
      %dma_wait3A_420 = arith.constant 0 : i32
      %dma_wait3A_421 = tpu.memref_slice %arg6[%add3A, %scan3A_6, %dma_wait3A_419, %dma_wait3A_414, %dma_wait3A_420] : memref<32x20x125x4x32xf32, #tpu.memory_space<hbm>> -> memref<1x1x125x1x32xf32, #tpu.memory_space<hbm>>
      %dma_wait3A_422 = tpu.memref_squeeze %dma_wait3A_421 : memref<1x1x125x1x32xf32, #tpu.memory_space<hbm>> -> memref<125x32xf32, #tpu.memory_space<hbm>>
      %dma_wait3A_423 = arith.constant 0 : i32
      %dma_wait3A_424 = arith.constant 0 : i32
      %dma_wait3A_425 = tpu.memref_slice %arg6[%add3A, %scan3A_6, %dma_wait3A_423, %dma_wait3A_414, %dma_wait3A_424] : memref<32x20x125x4x32xf32, #tpu.memory_space<hbm>> -> memref<1x1x125x1x32xf32, #tpu.memory_space<hbm>>
      %dma_wait3A_426 = tpu.memref_squeeze %dma_wait3A_425 : memref<1x1x125x1x32xf32, #tpu.memory_space<hbm>> -> memref<125x32xf32, #tpu.memory_space<hbm>>
      %dma_wait3A_427 = arith.constant 0 : i32
      %dma_wait3A_428 = arith.constant 0 : i32
      %dma_wait3A_429 = tpu.memref_slice %arg10[%dma_wait3A_413, %dma_wait3A_427, %dma_wait3A_428] : memref<2x125x32xf32, #tpu.memory_space<vmem>> -> memref<1x125x32xf32, #tpu.memory_space<vmem>>
      %dma_wait3A_430 = tpu.memref_squeeze %dma_wait3A_429 : memref<1x125x32xf32, #tpu.memory_space<vmem>> -> memref<125x32xf32, #tpu.memory_space<vmem>>
      tpu.wait_dma2 semaphore(%arg16 : memref<!tpu.dma_semaphore, #tpu.memory_space<semaphore_mem>>) src(%dma_wait3A_430 : memref<125x32xf32, #tpu.memory_space<vmem>>) dst(%dma_wait3A_426 : memref<125x32xf32, #tpu.memory_space<hbm>>)
      %dma_wait3A_431 = arith.constant 0 : i32
      %dma_wait3A_432 = arith.constant 2 : i32
      %dma_wait3A_433 = arith.constant 0 : i32
      %dma_wait3A_434 = arith.constant 0 : i32
      %dma_wait3A_435 = tpu.memref_slice %arg11[%dma_wait3A_431, %dma_wait3A_433, %dma_wait3A_434] : memref<2x125x32xf32, #tpu.memory_space<vmem>> -> memref<1x125x32xf32, #tpu.memory_space<vmem>>
      %dma_wait3A_436 = tpu.memref_squeeze %dma_wait3A_435 : memref<1x125x32xf32, #tpu.memory_space<vmem>> -> memref<125x32xf32, #tpu.memory_space<vmem>>
      %dma_wait3A_437 = arith.constant 0 : i32
      %dma_wait3A_438 = arith.constant 0 : i32
      %dma_wait3A_439 = tpu.memref_slice %arg7[%add3A, %scan3A_6, %dma_wait3A_437, %dma_wait3A_432, %dma_wait3A_438] : memref<32x20x125x4x32xf32, #tpu.memory_space<hbm>> -> memref<1x1x125x1x32xf32, #tpu.memory_space<hbm>>
      %dma_wait3A_440 = tpu.memref_squeeze %dma_wait3A_439 : memref<1x1x125x1x32xf32, #tpu.memory_space<hbm>> -> memref<125x32xf32, #tpu.memory_space<hbm>>
      %dma_wait3A_441 = arith.constant 0 : i32
      %dma_wait3A_442 = arith.constant 0 : i32
      %dma_wait3A_443 = tpu.memref_slice %arg7[%add3A, %scan3A_6, %dma_wait3A_441, %dma_wait3A_432, %dma_wait3A_442] : memref<32x20x125x4x32xf32, #tpu.memory_space<hbm>> -> memref<1x1x125x1x32xf32, #tpu.memory_space<hbm>>
      %dma_wait3A_444 = tpu.memref_squeeze %dma_wait3A_443 : memref<1x1x125x1x32xf32, #tpu.memory_space<hbm>> -> memref<125x32xf32, #tpu.memory_space<hbm>>
      %dma_wait3A_445 = arith.constant 0 : i32
      %dma_wait3A_446 = arith.constant 0 : i32
      %dma_wait3A_447 = tpu.memref_slice %arg11[%dma_wait3A_431, %dma_wait3A_445, %dma_wait3A_446] : memref<2x125x32xf32, #tpu.memory_space<vmem>> -> memref<1x125x32xf32, #tpu.memory_space<vmem>>
      %dma_wait3A_448 = tpu.memref_squeeze %dma_wait3A_447 : memref<1x125x32xf32, #tpu.memory_space<vmem>> -> memref<125x32xf32, #tpu.memory_space<vmem>>
      tpu.wait_dma2 semaphore(%arg18 : memref<!tpu.dma_semaphore, #tpu.memory_space<semaphore_mem>>) src(%dma_wait3A_448 : memref<125x32xf32, #tpu.memory_space<vmem>>) dst(%dma_wait3A_444 : memref<125x32xf32, #tpu.memory_space<hbm>>)
      %dma_wait3A_449 = arith.constant 1 : i32
      %dma_wait3A_450 = arith.constant 3 : i32
      %dma_wait3A_451 = arith.constant 0 : i32
      %dma_wait3A_452 = arith.constant 0 : i32
      %dma_wait3A_453 = tpu.memref_slice %arg10[%dma_wait3A_449, %dma_wait3A_451, %dma_wait3A_452] : memref<2x125x32xf32, #tpu.memory_space<vmem>> -> memref<1x125x32xf32, #tpu.memory_space<vmem>>
      %dma_wait3A_454 = tpu.memref_squeeze %dma_wait3A_453 : memref<1x125x32xf32, #tpu.memory_space<vmem>> -> memref<125x32xf32, #tpu.memory_space<vmem>>
      %dma_wait3A_455 = arith.constant 0 : i32
      %dma_wait3A_456 = arith.constant 0 : i32
      %dma_wait3A_457 = tpu.memref_slice %arg6[%add3A, %scan3A_6, %dma_wait3A_455, %dma_wait3A_450, %dma_wait3A_456] : memref<32x20x125x4x32xf32, #tpu.memory_space<hbm>> -> memref<1x1x125x1x32xf32, #tpu.memory_space<hbm>>
      %dma_wait3A_458 = tpu.memref_squeeze %dma_wait3A_457 : memref<1x1x125x1x32xf32, #tpu.memory_space<hbm>> -> memref<125x32xf32, #tpu.memory_space<hbm>>
      %dma_wait3A_459 = arith.constant 0 : i32
      %dma_wait3A_460 = arith.constant 0 : i32
      %dma_wait3A_461 = tpu.memref_slice %arg6[%add3A, %scan3A_6, %dma_wait3A_459, %dma_wait3A_450, %dma_wait3A_460] : memref<32x20x125x4x32xf32, #tpu.memory_space<hbm>> -> memref<1x1x125x1x32xf32, #tpu.memory_space<hbm>>
      %dma_wait3A_462 = tpu.memref_squeeze %dma_wait3A_461 : memref<1x1x125x1x32xf32, #tpu.memory_space<hbm>> -> memref<125x32xf32, #tpu.memory_space<hbm>>
      %dma_wait3A_463 = arith.constant 0 : i32
      %dma_wait3A_464 = arith.constant 0 : i32
      %dma_wait3A_465 = tpu.memref_slice %arg10[%dma_wait3A_449, %dma_wait3A_463, %dma_wait3A_464] : memref<2x125x32xf32, #tpu.memory_space<vmem>> -> memref<1x125x32xf32, #tpu.memory_space<vmem>>
      %dma_wait3A_466 = tpu.memref_squeeze %dma_wait3A_465 : memref<1x125x32xf32, #tpu.memory_space<vmem>> -> memref<125x32xf32, #tpu.memory_space<vmem>>
      tpu.wait_dma2 semaphore(%arg17 : memref<!tpu.dma_semaphore, #tpu.memory_space<semaphore_mem>>) src(%dma_wait3A_466 : memref<125x32xf32, #tpu.memory_space<vmem>>) dst(%dma_wait3A_462 : memref<125x32xf32, #tpu.memory_space<hbm>>)
      %dma_wait3A_467 = arith.constant 1 : i32
      %dma_wait3A_468 = arith.constant 3 : i32
      %dma_wait3A_469 = arith.constant 0 : i32
      %dma_wait3A_470 = arith.constant 0 : i32
      %dma_wait3A_471 = tpu.memref_slice %arg11[%dma_wait3A_467, %dma_wait3A_469, %dma_wait3A_470] : memref<2x125x32xf32, #tpu.memory_space<vmem>> -> memref<1x125x32xf32, #tpu.memory_space<vmem>>
      %dma_wait3A_472 = tpu.memref_squeeze %dma_wait3A_471 : memref<1x125x32xf32, #tpu.memory_space<vmem>> -> memref<125x32xf32, #tpu.memory_space<vmem>>
      %dma_wait3A_473 = arith.constant 0 : i32
      %dma_wait3A_474 = arith.constant 0 : i32
      %dma_wait3A_475 = tpu.memref_slice %arg7[%add3A, %scan3A_6, %dma_wait3A_473, %dma_wait3A_468, %dma_wait3A_474] : memref<32x20x125x4x32xf32, #tpu.memory_space<hbm>> -> memref<1x1x125x1x32xf32, #tpu.memory_space<hbm>>
      %dma_wait3A_476 = tpu.memref_squeeze %dma_wait3A_475 : memref<1x1x125x1x32xf32, #tpu.memory_space<hbm>> -> memref<125x32xf32, #tpu.memory_space<hbm>>
      %dma_wait3A_477 = arith.constant 0 : i32
      %dma_wait3A_478 = arith.constant 0 : i32
      %dma_wait3A_479 = tpu.memref_slice %arg7[%add3A, %scan3A_6, %dma_wait3A_477, %dma_wait3A_468, %dma_wait3A_478] : memref<32x20x125x4x32xf32, #tpu.memory_space<hbm>> -> memref<1x1x125x1x32xf32, #tpu.memory_space<hbm>>
      %dma_wait3A_480 = tpu.memref_squeeze %dma_wait3A_479 : memref<1x1x125x1x32xf32, #tpu.memory_space<hbm>> -> memref<125x32xf32, #tpu.memory_space<hbm>>
      %dma_wait3A_481 = arith.constant 0 : i32
      %dma_wait3A_482 = arith.constant 0 : i32
      %dma_wait3A_483 = tpu.memref_slice %arg11[%dma_wait3A_467, %dma_wait3A_481, %dma_wait3A_482] : memref<2x125x32xf32, #tpu.memory_space<vmem>> -> memref<1x125x32xf32, #tpu.memory_space<vmem>>
      %dma_wait3A_484 = tpu.memref_squeeze %dma_wait3A_483 : memref<1x125x32xf32, #tpu.memory_space<vmem>> -> memref<125x32xf32, #tpu.memory_space<vmem>>
      tpu.wait_dma2 semaphore(%arg19 : memref<!tpu.dma_semaphore, #tpu.memory_space<semaphore_mem>>) src(%dma_wait3A_484 : memref<125x32xf32, #tpu.memory_space<vmem>>) dst(%dma_wait3A_480 : memref<125x32xf32, #tpu.memory_space<hbm>>)
    }
    %scan3A_5 = arith.constant 20 : i32
    return
  }
}

module attributes {stable_mosaic.version = 14 : i64} {
  func.func @_proj_body(%arg0: i32, %arg1: memref<1000x128xf32, #tpu.memory_space<vmem>>, %arg2: memref<128x32xf32, #tpu.memory_space<vmem>>, %arg3: memref<128x32xf32, #tpu.memory_space<vmem>>, %arg4: memref<1000x32xf32, #tpu.memory_space<vmem>>, %arg5: memref<1000x32xf32, #tpu.memory_space<vmem>>) attributes {dimension_semantics = [#tpu.dimension_semantics<arbitrary>], iteration_bounds = array<i64: 10>, scalar_prefetch = 0 : i64, scratch_operands = 0 : i64, tpu.core_type = #tpu.core_type<tc>, window_params = [{transform_indices = @transform_0, window_bounds = array<i64: 1000, 128>}, {pipeline_mode = #tpu.pipeline_mode<synchronous>, transform_indices = @transform_1, window_bounds = array<i64: 128, 32>}, {pipeline_mode = #tpu.pipeline_mode<synchronous>, transform_indices = @transform_2, window_bounds = array<i64: 128, 32>}, {transform_indices = @transform_3, window_bounds = array<i64: 1000, 32>}, {transform_indices = @transform_4, window_bounds = array<i64: 1000, 32>}]} {
    %get3A = arith.constant 0 : index
    %get3A_0 = arith.constant 0 : index
    %get3A_1 = vector.load %arg1[%get3A, %get3A_0] : memref<1000x128xf32, #tpu.memory_space<vmem>>, vector<1000x128xf32>
    %get3A_2 = arith.constant 0 : index
    %get3A_3 = arith.constant 0 : index
    %get3A_4 = vector.load %arg2[%get3A_2, %get3A_3] : memref<128x32xf32, #tpu.memory_space<vmem>>, vector<128x32xf32>
    %dot_general3A = arith.constant dense<0.000000e+00> : vector<1000x32xf32>
    %dot_general3A_5 = tpu.matmul %get3A_1, %get3A_4, %dot_general3A {dimension_numbers = #tpu.dot_dimension_numbers<[1], [0], [0], [1], [0, 0, 1, 1], [], []>, transpose_lhs_hint = false} : vector<1000x128xf32>, vector<128x32xf32>, vector<1000x32xf32> -> vector<1000x32xf32>
    %swap3A = arith.constant 0 : index
    %swap3A_6 = arith.constant 0 : index
    %swap3A_7 = vector.load %arg4[%swap3A, %swap3A_6] : memref<1000x32xf32, #tpu.memory_space<vmem>>, vector<1000x32xf32>
    tpu.vector_store %arg4[%swap3A, %swap3A_6], %dot_general3A_5 {strides = array<i32>} : memref<1000x32xf32, #tpu.memory_space<vmem>>, vector<1000x32xf32>,
    %get3A_8 = arith.constant 0 : index
    %get3A_9 = arith.constant 0 : index
    %get3A_10 = vector.load %arg3[%get3A_8, %get3A_9] : memref<128x32xf32, #tpu.memory_space<vmem>>, vector<128x32xf32>
    %dot_general3A_11 = arith.constant dense<0.000000e+00> : vector<1000x32xf32>
    %dot_general3A_12 = tpu.matmul %get3A_1, %get3A_10, %dot_general3A_11 {dimension_numbers = #tpu.dot_dimension_numbers<[1], [0], [0], [1], [0, 0, 1, 1], [], []>, transpose_lhs_hint = false} : vector<1000x128xf32>, vector<128x32xf32>, vector<1000x32xf32> -> vector<1000x32xf32>
    %swap3A_13 = arith.constant 0 : index
    %swap3A_14 = arith.constant 0 : index
    %swap3A_15 = vector.load %arg5[%swap3A_13, %swap3A_14] : memref<1000x32xf32, #tpu.memory_space<vmem>>, vector<1000x32xf32>
    tpu.vector_store %arg5[%swap3A_13, %swap3A_14], %dot_general3A_12 {strides = array<i32>} : memref<1000x32xf32, #tpu.memory_space<vmem>>, vector<1000x32xf32>,
    return
  }
  func.func @transform_0(%arg0: i32) -> (i32, i32) {
    %c0_i32 = arith.constant 0 : i32
    %c0_i32_0 = arith.constant 0 : i32
    return %arg0, %c0_i32 : i32, i32
  }
  func.func @transform_1(%arg0: i32) -> (i32, i32) {
    %c0_i32 = arith.constant 0 : i32
    %c0_i32_0 = arith.constant 0 : i32
    %c0_i32_1 = arith.constant 0 : i32
    return %c0_i32, %c0_i32_0 : i32, i32
  }
  func.func @transform_2(%arg0: i32) -> (i32, i32) {
    %c0_i32 = arith.constant 0 : i32
    %c0_i32_0 = arith.constant 0 : i32
    %c0_i32_1 = arith.constant 0 : i32
    return %c0_i32, %c0_i32_0 : i32, i32
  }
  func.func @transform_3(%arg0: i32) -> (i32, i32) {
    %c0_i32 = arith.constant 0 : i32
    %c0_i32_0 = arith.constant 0 : i32
    return %arg0, %c0_i32 : i32, i32
  }
  func.func @transform_4(%arg0: i32) -> (i32, i32) {
    %c0_i32 = arith.constant 0 : i32
    %c0_i32_0 = arith.constant 0 : i32
    return %arg0, %c0_i32 : i32, i32
  }
}

module attributes {stable_mosaic.version = 14 : i64} {
  func.func @_mlp_body(%arg0: i32, %arg1: memref<3200x128xf32, #tpu.memory_space<vmem>>, %arg2: memref<3200x128xf32, #tpu.memory_space<vmem>>, %arg3: memref<3200x64xf32, #tpu.memory_space<vmem>>, %arg4: memref<64x128xf32, #tpu.memory_space<vmem>>, %arg5: memref<1x128xf32, #tpu.memory_space<vmem>>, %arg6: memref<128x4xf32, #tpu.memory_space<vmem>>, %arg7: memref<128x4xf32, #tpu.memory_space<vmem>>, %arg8: memref<128x4xf32, #tpu.memory_space<vmem>>, %arg9: memref<1x4xf32, #tpu.memory_space<vmem>>, %arg10: memref<4x3200xf32, #tpu.memory_space<vmem>>, %arg11: memref<4x3200xf32, #tpu.memory_space<vmem>>, %arg12: memref<4x3200xf32, #tpu.memory_space<vmem>>) attributes {dimension_semantics = [#tpu.dimension_semantics<arbitrary>], iteration_bounds = array<i64: 25>, scalar_prefetch = 0 : i64, scratch_operands = 0 : i64, tpu.core_type = #tpu.core_type<tc>, window_params = [{transform_indices = @transform_0, window_bounds = array<i64: 3200, 128>}, {transform_indices = @transform_1, window_bounds = array<i64: 3200, 128>}, {transform_indices = @transform_2, window_bounds = array<i64: 3200, 64>}, {pipeline_mode = #tpu.pipeline_mode<synchronous>, transform_indices = @transform_3, window_bounds = array<i64: 64, 128>}, {pipeline_mode = #tpu.pipeline_mode<synchronous>, transform_indices = @transform_4, window_bounds = array<i64: 1, 128>}, {pipeline_mode = #tpu.pipeline_mode<synchronous>, transform_indices = @transform_5, window_bounds = array<i64: 128, 4>}, {pipeline_mode = #tpu.pipeline_mode<synchronous>, transform_indices = @transform_6, window_bounds = array<i64: 128, 4>}, {pipeline_mode = #tpu.pipeline_mode<synchronous>, transform_indices = @transform_7, window_bounds = array<i64: 128, 4>}, {pipeline_mode = #tpu.pipeline_mode<synchronous>, transform_indices = @transform_8, window_bounds = array<i64: 1, 4>}, {transform_indices = @transform_9, window_bounds = array<i64: 4, 3200>}, {transform_indices = @transform_10, window_bounds = array<i64: 4, 3200>}, {transform_indices = @transform_11, window_bounds = array<i64: 4, 3200>}]} {
    %get3A = arith.constant 0 : index
    %get3A_0 = arith.constant 0 : index
    %get3A_1 = vector.load %arg1[%get3A, %get3A_0] : memref<3200x128xf32, #tpu.memory_space<vmem>>, vector<3200x128xf32>
    %get3A_2 = arith.constant 0 : index
    %get3A_3 = arith.constant 0 : index
    %get3A_4 = vector.load %arg2[%get3A_2, %get3A_3] : memref<3200x128xf32, #tpu.memory_space<vmem>>, vector<3200x128xf32>
    %add3A = arith.addf %get3A_1, %get3A_4 : vector<3200x128xf32>
    %get3A_5 = arith.constant 0 : index
    %get3A_6 = arith.constant 0 : index
    %get3A_7 = vector.load %arg3[%get3A_5, %get3A_6] : memref<3200x64xf32, #tpu.memory_space<vmem>>, vector<3200x64xf32>
    %get3A_8 = arith.constant 0 : index
    %get3A_9 = arith.constant 0 : index
    %get3A_10 = vector.load %arg4[%get3A_8, %get3A_9] : memref<64x128xf32, #tpu.memory_space<vmem>>, vector<64x128xf32>
    %dot_general3A = arith.constant dense<0.000000e+00> : vector<3200x128xf32>
    %dot_general3A_11 = tpu.matmul %get3A_7, %get3A_10, %dot_general3A {dimension_numbers = #tpu.dot_dimension_numbers<[1], [0], [0], [1], [0, 0, 1, 1], [], []>, transpose_lhs_hint = false} : vector<3200x64xf32>, vector<64x128xf32>, vector<3200x128xf32> -> vector<3200x128xf32>
    %add3A_12 = arith.addf %add3A, %dot_general3A_11 : vector<3200x128xf32>
    %get3A_13 = arith.constant 0 : index
    %get3A_14 = arith.constant 0 : index
    %get3A_15 = vector.load %arg5[%get3A_13, %get3A_14] : memref<1x128xf32, #tpu.memory_space<vmem>>, vector<1x128xf32>
    %add3A_16 = vector.broadcast %get3A_15 : vector<1x128xf32> to vector<3200x128xf32>
    %add3A_17 = arith.addf %add3A_12, %add3A_16 : vector<3200x128xf32>
    %max3A = arith.constant 0.000000e+00 : f32
    %max3A_18 = vector.broadcast %max3A : f32 to vector<3200x128xf32>
    %max3A_19 = arith.maximumf %add3A_17, %max3A_18 : vector<3200x128xf32>
    %get3A_20 = arith.constant 0 : index
    %get3A_21 = arith.constant 0 : index
    %get3A_22 = vector.load %arg6[%get3A_20, %get3A_21] : memref<128x4xf32, #tpu.memory_space<vmem>>, vector<128x4xf32>
    %dot_general3A_23 = arith.constant dense<0.000000e+00> : vector<4x3200xf32>
    %dot_general3A_24 = tpu.matmul %get3A_22, %max3A_19, %dot_general3A_23 {dimension_numbers = #tpu.dot_dimension_numbers<[0], [1], [1], [0], [0, 1, 1, 0], [], []>, transpose_lhs_hint = false} : vector<128x4xf32>, vector<3200x128xf32>, vector<4x3200xf32> -> vector<4x3200xf32>
    %get3A_25 = arith.constant 0 : index
    %get3A_26 = arith.constant 0 : index
    %get3A_27 = vector.load %arg9[%get3A_25, %get3A_26] : memref<1x4xf32, #tpu.memory_space<vmem>>, vector<1x1xf32>
    %get3A_28 = vector.extract %get3A_27[0, 0] : f32 from vector<1x1xf32>
    %add3A_29 = vector.broadcast %get3A_28 : f32 to vector<4x3200xf32>
    %add3A_30 = arith.addf %dot_general3A_24, %add3A_29 : vector<4x3200xf32>
    %swap3A = arith.constant 0 : index
    %swap3A_31 = arith.constant 0 : index
    %swap3A_32 = vector.load %arg10[%swap3A, %swap3A_31] : memref<4x3200xf32, #tpu.memory_space<vmem>>, vector<4x3200xf32>
    tpu.vector_store %arg10[%swap3A, %swap3A_31], %add3A_30 {strides = array<i32>} : memref<4x3200xf32, #tpu.memory_space<vmem>>, vector<4x3200xf32>,
    %get3A_33 = arith.constant 0 : index
    %get3A_34 = arith.constant 0 : index
    %get3A_35 = vector.load %arg7[%get3A_33, %get3A_34] : memref<128x4xf32, #tpu.memory_space<vmem>>, vector<128x4xf32>
    %dot_general3A_36 = arith.constant dense<0.000000e+00> : vector<4x3200xf32>
    %dot_general3A_37 = tpu.matmul %get3A_35, %max3A_19, %dot_general3A_36 {dimension_numbers = #tpu.dot_dimension_numbers<[0], [1], [1], [0], [0, 1, 1, 0], [], []>, transpose_lhs_hint = false} : vector<128x4xf32>, vector<3200x128xf32>, vector<4x3200xf32> -> vector<4x3200xf32>
    %get3A_38 = arith.constant 0 : index
    %get3A_39 = arith.constant 1 : index
    %get3A_40 = vector.load %arg9[%get3A_38, %get3A_39] : memref<1x4xf32, #tpu.memory_space<vmem>>, vector<1x1xf32>
    %get3A_41 = vector.extract %get3A_40[0, 0] : f32 from vector<1x1xf32>
    %add3A_42 = vector.broadcast %get3A_41 : f32 to vector<4x3200xf32>
    %add3A_43 = arith.addf %dot_general3A_37, %add3A_42 : vector<4x3200xf32>
    %swap3A_44 = arith.constant 0 : index
    %swap3A_45 = arith.constant 0 : index
    %swap3A_46 = vector.load %arg11[%swap3A_44, %swap3A_45] : memref<4x3200xf32, #tpu.memory_space<vmem>>, vector<4x3200xf32>
    tpu.vector_store %arg11[%swap3A_44, %swap3A_45], %add3A_43 {strides = array<i32>} : memref<4x3200xf32, #tpu.memory_space<vmem>>, vector<4x3200xf32>,
    %get3A_47 = arith.constant 0 : index
    %get3A_48 = arith.constant 0 : index
    %get3A_49 = vector.load %arg8[%get3A_47, %get3A_48] : memref<128x4xf32, #tpu.memory_space<vmem>>, vector<128x4xf32>
    %dot_general3A_50 = arith.constant dense<0.000000e+00> : vector<4x3200xf32>
    %dot_general3A_51 = tpu.matmul %get3A_49, %max3A_19, %dot_general3A_50 {dimension_numbers = #tpu.dot_dimension_numbers<[0], [1], [1], [0], [0, 1, 1, 0], [], []>, transpose_lhs_hint = false} : vector<128x4xf32>, vector<3200x128xf32>, vector<4x3200xf32> -> vector<4x3200xf32>
    %get3A_52 = arith.constant 0 : index
    %get3A_53 = arith.constant 2 : index
    %get3A_54 = vector.load %arg9[%get3A_52, %get3A_53] : memref<1x4xf32, #tpu.memory_space<vmem>>, vector<1x1xf32>
    %get3A_55 = vector.extract %get3A_54[0, 0] : f32 from vector<1x1xf32>
    %add3A_56 = vector.broadcast %get3A_55 : f32 to vector<4x3200xf32>
    %add3A_57 = arith.addf %dot_general3A_51, %add3A_56 : vector<4x3200xf32>
    %logistic3A = arith.negf %add3A_57 : vector<4x3200xf32>
    %logistic3A_58 = math.exp %logistic3A : vector<4x3200xf32>
    %logistic3A_59 = arith.constant 1.000000e+00 : f32
    %logistic3A_60 = vector.broadcast %logistic3A_59 : f32 to vector<4x3200xf32>
    %logistic3A_61 = arith.addf %logistic3A_60, %logistic3A_58 : vector<4x3200xf32>
    %logistic3A_62 = arith.divf %logistic3A_60, %logistic3A_61 : vector<4x3200xf32>
    %gt3A = arith.constant 0.899999976 : f32
    %gt3A_63 = vector.broadcast %gt3A : f32 to vector<4x3200xf32>
    %gt3A_64 = arith.cmpf ogt, %logistic3A_62, %gt3A_63 : vector<4x3200xf32>
    %convert_element_type3A = arith.extui %gt3A_64 : vector<4x3200xi1> to vector<4x3200xi32>
    %convert_element_type3A_65 = arith.sitofp %convert_element_type3A : vector<4x3200xi32> to vector<4x3200xf32>
    %swap3A_66 = arith.constant 0 : index
    %swap3A_67 = arith.constant 0 : index
    %swap3A_68 = vector.load %arg12[%swap3A_66, %swap3A_67] : memref<4x3200xf32, #tpu.memory_space<vmem>>, vector<4x3200xf32>
    tpu.vector_store %arg12[%swap3A_66, %swap3A_67], %convert_element_type3A_65 {strides = array<i32>} : memref<4x3200xf32, #tpu.memory_space<vmem>>, vector<4x3200xf32>,
    return
  }
  func.func @transform_0(%arg0: i32) -> (i32, i32) {
    %c0_i32 = arith.constant 0 : i32
    %c0_i32_0 = arith.constant 0 : i32
    return %arg0, %c0_i32 : i32, i32
  }
  func.func @transform_1(%arg0: i32) -> (i32, i32) {
    %c0_i32 = arith.constant 0 : i32
    %c0_i32_0 = arith.constant 0 : i32
    return %arg0, %c0_i32 : i32, i32
  }
  func.func @transform_2(%arg0: i32) -> (i32, i32) {
    %c0_i32 = arith.constant 0 : i32
    %c0_i32_0 = arith.constant 0 : i32
    return %arg0, %c0_i32 : i32, i32
  }
  func.func @transform_3(%arg0: i32) -> (i32, i32) {
    %c0_i32 = arith.constant 0 : i32
    %c0_i32_0 = arith.constant 0 : i32
    %c0_i32_1 = arith.constant 0 : i32
    return %c0_i32, %c0_i32_0 : i32, i32
  }
  func.func @transform_4(%arg0: i32) -> (i32, i32) {
    %c0_i32 = arith.constant 0 : i32
    %c0_i32_0 = arith.constant 0 : i32
    %c0_i32_1 = arith.constant 0 : i32
    return %c0_i32, %c0_i32_0 : i32, i32
  }
  func.func @transform_5(%arg0: i32) -> (i32, i32) {
    %c0_i32 = arith.constant 0 : i32
    %c0_i32_0 = arith.constant 0 : i32
    %c0_i32_1 = arith.constant 0 : i32
    return %c0_i32, %c0_i32_0 : i32, i32
  }
  func.func @transform_6(%arg0: i32) -> (i32, i32) {
    %c0_i32 = arith.constant 0 : i32
    %c0_i32_0 = arith.constant 0 : i32
    %c0_i32_1 = arith.constant 0 : i32
    return %c0_i32, %c0_i32_0 : i32, i32
  }
  func.func @transform_7(%arg0: i32) -> (i32, i32) {
    %c0_i32 = arith.constant 0 : i32
    %c0_i32_0 = arith.constant 0 : i32
    %c0_i32_1 = arith.constant 0 : i32
    return %c0_i32, %c0_i32_0 : i32, i32
  }
  func.func @transform_8(%arg0: i32) -> (i32, i32) {
    %c0_i32 = arith.constant 0 : i32
    %c0_i32_0 = arith.constant 0 : i32
    %c0_i32_1 = arith.constant 0 : i32
    return %c0_i32, %c0_i32_0 : i32, i32
  }
  func.func @transform_9(%arg0: i32) -> (i32, i32) {
    %c0_i32 = arith.constant 0 : i32
    %c0_i32_0 = arith.constant 0 : i32
    return %c0_i32, %arg0 : i32, i32
  }
  func.func @transform_10(%arg0: i32) -> (i32, i32) {
    %c0_i32 = arith.constant 0 : i32
    %c0_i32_0 = arith.constant 0 : i32
    return %c0_i32, %arg0 : i32, i32
  }
  func.func @transform_11(%arg0: i32) -> (i32, i32) {
    %c0_i32 = arith.constant 0 : i32
    %c0_i32_0 = arith.constant 0 : i32
    return %c0_i32, %arg0 : i32, i32
  }
}

module attributes {stable_mosaic.version = 14 : i64} {
  func.func @_combine_body(%arg0: i32, %arg1: memref<2x10240xf32, #tpu.memory_space<vmem>>, %arg2: memref<1x10240xf32, #tpu.memory_space<vmem>>) attributes {dimension_semantics = [#tpu.dimension_semantics<arbitrary>], iteration_bounds = array<i64: 1>, scalar_prefetch = 0 : i64, scratch_operands = 0 : i64, tpu.core_type = #tpu.core_type<tc>, window_params = [{pipeline_mode = #tpu.pipeline_mode<synchronous>, transform_indices = @transform_0, window_bounds = array<i64: 2, 10240>}, {pipeline_mode = #tpu.pipeline_mode<synchronous>, transform_indices = @transform_1, window_bounds = array<i64: 1, 10240>}]} {
    %get3A = arith.constant 0 : index
    %get3A_0 = arith.constant 0 : index
    %get3A_1 = vector.load %arg1[%get3A, %get3A_0] : memref<2x10240xf32, #tpu.memory_space<vmem>>, vector<2x10240xf32>
    %slice3A = vector.extract_strided_slice %get3A_1 {offsets = [0, 0], sizes = [1, 10240], strides = [1, 1]} : vector<2x10240xf32> to vector<1x10240xf32>
    %slice3A_2 = vector.extract_strided_slice %get3A_1 {offsets = [1, 0], sizes = [1, 10240], strides = [1, 1]} : vector<2x10240xf32> to vector<1x10240xf32>
    %max3A = arith.maximumf %slice3A, %slice3A_2 : vector<1x10240xf32>
    %gt3A = arith.constant 5.000000e-01 : f32
    %gt3A_3 = vector.broadcast %gt3A : f32 to vector<1x10240xf32>
    %gt3A_4 = arith.cmpf ogt, %max3A, %gt3A_3 : vector<1x10240xf32>
    %convert_element_type3A = arith.extui %gt3A_4 : vector<1x10240xi1> to vector<1x10240xi32>
    %convert_element_type3A_5 = arith.sitofp %convert_element_type3A : vector<1x10240xi32> to vector<1x10240xf32>
    %swap3A = arith.constant 0 : index
    %swap3A_6 = arith.constant 0 : index
    %swap3A_7 = vector.load %arg2[%swap3A, %swap3A_6] : memref<1x10240xf32, #tpu.memory_space<vmem>>, vector<1x10240xf32>
    tpu.vector_store %arg2[%swap3A, %swap3A_6], %convert_element_type3A_5 {strides = array<i32>} : memref<1x10240xf32, #tpu.memory_space<vmem>>, vector<1x10240xf32>,
    return
  }
  func.func @transform_0(%arg0: i32) -> (i32, i32) {
    %c0_i32 = arith.constant 0 : i32
    %c0_i32_0 = arith.constant 0 : i32
    %c0_i32_1 = arith.constant 0 : i32
    return %c0_i32, %c0_i32_0 : i32, i32
  }
  func.func @transform_1(%arg0: i32) -> (i32, i32) {
    %c0_i32 = arith.constant 0 : i32
    %c0_i32_0 = arith.constant 0 : i32
    %c0_i32_1 = arith.constant 0 : i32
    return %c0_i32, %c0_i32_0 : i32, i32
  }
}

</mosaic_0001>

<sc_bundles>
// kernel: kernel.10.cloned.1.call-start
scs
__scs_entry_jumppad:
0x0: {  	(pc) =	sbr.rel $0x88, $3  }
0x1: {  	(tag) =	ssettag $0x0;
	lr =	simm.s32 $0x1  }
0x2: {  	[smem:$0x3F9A] =	sst lr;
	_ =	strace $0xD0000000  }
0x3: {  	_ = 	snop  }
0x4: {  	_ = 	snop  }
0x5: {  	_ = 	snop  }
0x6: {  	_ = 	snop  }
0x7: {  	_ = 	snop  }
__scs_overlays_trampoline_lowered:
0x8: {  	[smem:$0x3FA9] =	sst s0  }
0x9: {  	[smem:$0x3FAA] =	sst s1  }
0xa: {  	[smem:$0x3FAB] =	sst s2  }
0xb: {  	[smem:$0x3FAC] =	sst s3  }
0xc: {  	[smem:$0x3FAD] =	sst s4  }
0xd: {  	[smem:$0x3FAE] =	sst s5  }
0xe: {  	[smem:$0x3FAF] =	sst s6  }
0xf: {  	[smem:$0x3FB0] =	sst s7  }
0x10: {  	[smem:$0x3FB1] =	sst s8  }
0x11: {  	[smem:$0x3FB2] =	sst s9;
	s0 =	simm.s32 @!p0 $0x0  }
0x12: {  	s1 =	sld [smem:$0x3F98];
	s0 =	simm.s32 @p0 $0x1  }
0x13: {  	[smem:$0x3FB3] =	sst s0;
	s0 =	simm.s32 @!p1 $0x0  }
0x14: {  	s2 =	sld [smem:$0x3F97];
	s0 =	simm.s32 @p1 $0x1  }
0x15: {  	[smem:$0x3FB4] =	sst s0;
	s0 =	simm.s32 @!p2 $0x0  }
0x16: {  	s3 =	sld [smem:$0x3FDB];
	s0 =	simm.s32 @p2 $0x1  }
0x17: {  	s4 =	simm.s32 $0x1BF5;
	[smem:$0x3FB6] =	sst s0  }
0x18: {  	s0 =	sld [smem:$0x3F99];
	_ =	swait.ge [sflag:s4], $0x0  }
0x19: {  	s7 =	sld [smem:$0x3F9A]  }
0x1a: {  	s8 =	sadd.s32 $0xFFFFE003, lr  }
0x1b: {  	s9 =	sadd.s32 $0xFFFFFEF7, lr;
	s5 =	simm.s32 $0xFFFFFFFF;
	p2 =	slt.u32 s8, $0xFFFFF086  }
0x1c: {  	p1 =	slt.u32 s9, $0xF7A;
	s5 =	simm.s32 @!p2 $0x0  }
0x1d: {  	s5 =	simm.s32 @p1 $0x1;
	p0 =	seq.s32 s7, s2  }
0x1e: {  	s7 =	smul.u32 @!p0 $0xF7A, s2;
	p2 =	seq.s32 @!p0 s5, $0x0  }
0x1f: {  	s9 =	smul.u32 $0xF7A, s1;
	s8 =	simm.s32 @!p0 $0x1BF5;
	p2 =	por !p2, p0  }
0x20: {  	[sflag:s8] =	ssyncset.s32 @!p0 $0xFFFFF086;
	s6 =	sadd.s32 @!p0 s3, s7;
	s7 =	simm.s32 @!p0 $0x108  }
0x21: {  	s3 =	sadd.s32 s3, s9;
	s6 =	sadd.s32 @!p0 $0x88, s6;
	s7 =	simm.s32 @p2 $0x1082  }
0x22: {  	[simem:s7], [sflag:s8] =	dma.local @!p0 [hbm:s6], $0xF7A  }
0x23: {  	s9 =	sor.u32 $0xD0000000, s2;
	s6 =	simm.s32 $0x108;
	_ =	swait.ge @!p0 [sflag:s8], $0x0  }
0x24: {  	s3 =	sadd.s32 $0x88, s3;
	s6 =	simm.s32 @!p1 $0x1082;
	[sflag:s4] =	ssyncset.s32 $0xFFFFF086  }
0x25: {  	[simem:s6], [sflag:s4] =	dma.local [hbm:s3], $0xF7A  }
0x26: {  	[smem:$0x3F9A] =	sst s1;
	(tag) =	ssettag s2;
	_ =	strace s9  }
0x27: {  	s1 =	sld [smem:$0x3FAA]  }
0x28: {  	s2 =	sld [smem:$0x3FAB]  }
0x29: {  	s4 =	sld [smem:$0x3FAD]  }
0x2a: {  	p0 =	seq.s32 s5, $0x0;
	s5 =	sld [smem:$0x3FAE]  }
0x2b: {  	s6 =	sld [smem:$0x3FAF]  }
0x2c: {  	s7 =	sld [smem:$0x3FB0]  }
0x2d: {  	s3 =	simm.s32 $0x108;
	s8 =	sld [smem:$0x3FB1]  }
0x2e: {  	s3 =	simm.s32 @!p0 $0x1082;
	s9 =	sld [smem:$0x3FB2]  }
0x2f: {  	lr =	sadd.s32 s0, s3;
	s0 =	sld [smem:$0x3FA9]  }
0x30: {  	s3 =	sld [smem:$0x3FAC]  }
0x31: {  	[smem:$0x3FB5] =	sst s10  }
0x32: {  	s10 =	sld [smem:$0x3FB3];
	_ =	sdelay $0x3  }
0x33: {  	p0 =	seq.s32 s10, $0x1;
	s10 =	sld [smem:$0x3FB5];
	_ =	sdelay $0x3  }
0x34: {  	[smem:$0x3FB5] =	sst s10  }
0x35: {  	s10 =	sld [smem:$0x3FB4];
	_ =	sdelay $0x3  }
0x36: {  	p1 =	seq.s32 s10, $0x1;
	s10 =	sld [smem:$0x3FB5];
	_ =	sdelay $0x3  }
0x37: {  	[smem:$0x3FB5] =	sst s10  }
0x38: {  	s10 =	sld [smem:$0x3FB6]  }
0x39: {  	_ = 	snop;
	(pc) =	sbr.ind lr, $3  }
0x3a: {  	_ = 	snop  }
0x3b: {  	_ = 	snop  }
0x3c: {  	p2 =	seq.s32 s10, $0x1;
	s10 =	sld [smem:$0x3FB5]  }
0x3d: {  	_ =	shalt  }
0x3e: {  	_ =	shalt  }
0x3f: {  	_ =	shalt  }
0x40: {  	_ =	shalt  }
0x41: {  	_ =	shalt  }
0x42: {  	_ =	shalt  }
0x43: {  	_ =	shalt  }
0x44: {  	_ =	shalt  }
0x45: {  	_ =	shalt  }
0x46: {  	_ =	shalt  }
0x47: {  	_ =	shalt  }
0x48: {  	_ =	shalt  }
0x49: {  	_ =	shalt  }
0x4a: {  	_ =	shalt  }
0x4b: {  	_ =	shalt  }
0x4c: {  	_ =	shalt  }
0x4d: {  	_ =	shalt  }
0x4e: {  	_ =	shalt  }
0x4f: {  	_ =	shalt  }
0x50: {  	_ =	shalt  }
0x51: {  	_ =	shalt  }
0x52: {  	_ =	shalt  }
0x53: {  	_ =	shalt  }
0x54: {  	_ =	shalt  }
0x55: {  	_ =	shalt  }
0x56: {  	_ =	shalt  }
0x57: {  	_ =	shalt  }
0x58: {  	_ =	shalt  }
0x59: {  	_ =	shalt  }
0x5a: {  	_ =	shalt  }
0x5b: {  	_ =	shalt  }
0x5c: {  	_ =	shalt  }
0x5d: {  	_ =	shalt  }
0x5e: {  	_ =	shalt  }
0x5f: {  	_ =	shalt  }
0x60: {  	_ =	shalt  }
0x61: {  	_ =	shalt  }
0x62: {  	_ =	shalt  }
0x63: {  	_ =	shalt  }
0x64: {  	_ =	shalt  }
0x65: {  	_ =	shalt  }
0x66: {  	_ =	shalt  }
0x67: {  	_ =	shalt  }
0x68: {  	_ =	shalt  }
0x69: {  	_ =	shalt  }
0x6a: {  	_ =	shalt  }
0x6b: {  	_ =	shalt  }
0x6c: {  	_ =	shalt  }
0x6d: {  	_ =	shalt  }
0x6e: {  	_ =	shalt  }
0x6f: {  	_ =	shalt  }
0x70: {  	_ =	shalt  }
0x71: {  	_ =	shalt  }
0x72: {  	_ =	shalt  }
0x73: {  	_ =	shalt  }
0x74: {  	_ =	shalt  }
0x75: {  	_ =	shalt  }
0x76: {  	_ =	shalt  }
0x77: {  	_ =	shalt  }
0x78: {  	_ =	shalt  }
0x79: {  	_ =	shalt  }
0x7a: {  	_ =	shalt  }
0x7b: {  	_ =	shalt  }
0x7c: {  	_ =	shalt  }
0x7d: {  	_ =	shalt  }
0x7e: {  	_ =	shalt  }
0x7f: {  	_ =	shalt  }
0x80: {  	_ =	shalt  }
0x81: {  	_ =	shalt  }
0x82: {  	_ =	shalt  }
0x83: {  	_ =	shalt  }
0x84: {  	_ =	shalt  }
0x85: {  	_ =	shalt  }
0x86: {  	_ =	shalt  }
0x87: {  	_ =	shalt  }
.Lfunc_end0:
.L_simem_size_0:
called_computation.1_lowered:
.L_overlay_start_0:
0x88: {  	s2 =	sld [smem:$0x3FD9]  }
0x89: {  	s3 =	sld [smem:$0x3FFE];
	_ =	sdelay $0x1  }
0x8a: {  	s1 =	srdreg.scid  }
0x8b: {  	s0 =	sand.u32 $0x1, s1  }
0x8c: {  	s16 =	sshll.u32 s0, $0xA;
	s2 =	sadd.s32 s3, s2  }
0x8d: {  	s2 =	sadd.s32 s2, s16  }
0x8e: {  	[smem:$0x3FC1] =	sst s2  }
0x8f: {  	_ = 	snop  }
0x90: {  	(tm) =	ssettm $0x1  }
0x91: {  	s17 =	sld [smem:$0x3FFB];
	_ =	sdelay $0x3  }
0x92: {  	_ =	strace s17  }
0x93: {  	s2 =	sld [smem:$0x3FFC];
	_ =	sdelay $0x3  }
0x94: {  	_ =	strace s2  }
0x95: {  	s2 =	sld [smem:$0x3FFD];
	_ =	sdelay $0x3  }
0x96: {  	_ =	strace s2  }
0x97: {  	_ =	strace $0x8FFFFFFF  }
0x98: {  	s18 =	sld [smem:$0x3FDB];
	_ =	sdelay $0x1  }
0x99: {  	s19 =	simm.s32 $_scs_section_size  }
0x9a: {  	s4 =	simm.s32 $_size__tile_overlayer_lowered;
	s5 =	simm.s32 $_tile_overlayer_lowered  }
0x9b: {  	s22 =	simm.s32 $0x1BFF;
	s21 =	sshll.u32 s5, $0x1;
	s2 =	sadd.s32 s19, s18  }
0x9c: {  	s6 =	simm.s32 $0x0;
	s20 =	sshll.u32 s4, $0x1;
	s4 =	sadd.s32 s21, s2  }
0x9d: {  	[timem:s6], [sflag:s22] =	dma.local [hbm:s4], s20  }
0x9e: {  	_ =	swait.ge [sflag:s22], s20  }
0x9f: {  	s3 =	ssub.s32 $0x0, s20;
	[sflag:s22] =	ssyncset.done $0x0  }
0xa0: {  	[sflag:s22] =	ssyncadd.s32 s3;
	_ =	sdelay $0x1  }
0xa1: {  	s23 =	simm.s32 $0x1B8B  }
0xa2: {  	_ =	swait.ge [sflag:s23], $0x1  }
0xa3: {  	[sflag:s23] =	ssyncset.done $0x0  }
0xa4: {  	s25 =	simm.s32 $0x1B8E;
	s24 =	sld [smem:$0x3FFE];
	[sflag:s23] =	ssyncadd.s32 $0xFFFFFFFF  }
0xa5: {  	s26 =	simm.s32 $execute0_lowered;
	[smem:$0x3FD2] =	sst s25  }
0xa6: {  	s4 =	sshll.u32 s26, $0x1;
	_ =	strace $0x80000049;
	[dreg:$0x1] =	wrdreg $0xFFFFFFFF  }
0xa7: {  	s28 =	simm.s32 $_size_execute0_lowered;
	s2 =	sadd.s32 s2, s4;
	[dreg:$0x0] =	wrdreg $0x0  }
0xa8: {  	s4 =	sshll.u32 s28, $0x1;
	[dreg:$0x2] =	wrdreg s2  }
0xa9: {  	[dreg:$0x3] =	wrdreg s4  }
0xaa: {  	[dreg:$0x4] =	wrdreg $0xC0  }
0xab: {  	_ =	task [dreg:s6], $0x5FFFF  }
0xac: {  	[dreg:$0x1] =	wrdreg $0xFFFFFFFF  }
0xad: {  	[dreg:$0x0] =	wrdreg $0x60  }
0xae: {  	[dreg:$0x2] =	wrdreg s24  }
0xaf: {  	[dreg:$0x3] =	wrdreg $0x76200  }
0xb0: {  	[dreg:$0x4] =	wrdreg $0x9  }
0xb1: {  	_ =	task.clear_ibuf [dreg:s6], $0x5FFFF;
	_ =	strace $0x90000049  }
0xb2: {  	s29 =	simm.s32 $0x9;
	_ =	strace $0x8000004B  }
0xb3: {  	_ =	swait.ge [sflag:s29], $0x1  }
0xb4: {  	[sflag:s29] =	ssyncadd.s32 $0xFFFFFFFF  }
0xb5: {  	_ =	strace $0x9000004B  }
0xb6: {  	_ =	sfence  }
0xb7: {  	s30 =	sld [smem:$0x0];
	_ =	sdelay $0x2  }
0xb8: {  	s31 =	sshll.u32 s1, $0xD;
	s1 =	sshrl.u32 s1, $0x2  }
0xb9: {  	s3 =	sand.u32 $0x4000, s31;
	s1 =	sadd.s32 s1, s30  }
0xba: {  	s0 =	sor.u32 s3, s0;
	s1 =	sshll.u32 s1, $0x11  }
0xbb: {  	s0 =	sor.u32 s1, s0  }
0xbc: {  	s0 =	sadd.s32 $0x8F2B, s0  }
0xbd: {  	[sflag:s0] =	ssyncadd.remote.s32 $0x1  }
0xbe: {  	_ =	sfence.sel $0xFFFF  }
0xbf: {  	[dreg:$0x0] =	wrdreg $0xFFFFFFFF;
	(pc) =	sbr.abs _section_cstart, $3  }
0xc0: {  	[dreg:$0x1] =	wrdreg $0xFFFFFFFF  }
0xc1: {  	_ =	task.clear_ibuf [dreg:s6], $0x2FFFF;
	_ =	strace $0x9FFFFFFF  }
0xc2: {  	(tm) =	ssettm $0x7FFFFFFF  }
0xc3: {  	_ =	shalt  }
tec
execute0_lowered:
.L_overlay_start_1:
0x0: {  	(tag) =	ssettag $0x1  }
0x1: {  	s3 =	rddreg [dreg:$0x0]  }
0x2: {  	s6 =	rddreg [dreg:$0x1]  }
0x3: {  	s0 =	rddreg [dreg:$0x2];
	s2 =	simm.s32 $0x0;
	s4 =	srdreg.scid  }
0x4: {  	s1 =	stileid.u32;
	s11 =	simm.s32 $0x4E20;
	s12 =	simm.s32 $0x9E20  }
0x5: {  	s13 =	simm.s32 $0xA0A0;
	s14 =	simm.s32 $0x0;
	s7 =	smul.u32 $0x280, s1  }
0x6: {  	s4 =	sand.u32 $0x1, s4;
	s5 =	sshll.u32 s1, $0x1;
	s9 =	smul.u32 $0xA000, s1  }
0x7: {  	[smem:$0x7FF] =	sst s2;
	s5 =	sor.u32 s4, s5;
	s8 =	smul.u32 $0x2800, s4  }
0x8: {  	_ =	strace $0x8000004A;
	s4 =	ssub.s32 $0x2, s4;
	s5 =	smul.u32 $0x4E2, s5  }
0x9: {  	s10 =	sshrl.u32 s4, $0x1;
	s9 =	sshrl.u32 s9, $0x2;
	s8 =	sadd.s32 s7, s8  }
0xa: {  	s10 =	ssub.s32 s4, s10;
	s5 =	sadd.s32 s5, s3;
	s8 =	sshrl.u32 s8, $0x3  }
0xb: {  	s8 =	sadd.s32 s8, s3;
	s3 =	sadd.s32 $0x1E00, s5;
	s4 =	sadd.s32 $0xBC00, s5  }
0xc: {  	s5 =	sadd.s32 s9, s6;
	s6 =	sadd.s32 s7, s6;
	s9 =	simm.s32 $0x1  }
0xd: {  	v0 =	vimm.f32 $0.0e+00;
	v1 =	vimm.f32 $1.000000000e+00;
	s7 =	sadd.s32 $0x15A00, s8;
	s8 =	smax.u32 s10, $0x1;
	s10 =	simm.s32 $0x2710  }
.LBB2_1:
0xe: {  	[tilespmem:s2], [sflag:$0x1] =	stream.linear.gather [hbm4b:s3+s2], $0x2710, $0x38;
	[tilespmem:$0xA320] =	vst v63  }
0xf: {  	_ =	swait.ge [sflag:s9], $0x2710  }
0x10: {  	[sflag:s9] =	ssyncset.done $0x0  }
0x11: {  	[sflag:s9] =	ssyncadd.s32 $0xFFFFD8F0  }
0x12: {  	[tilespmem:s10], [sflag:$0x1] =	stream.linear.gather [hbm4b:s4+s2], $0x2710, $0x38;
	[tilespmem:$0xA320] =	vst v63  }
0x13: {  	_ =	swait.ge [sflag:s9], $0x2710  }
0x14: {  	[sflag:s9] =	ssyncset.done $0x0  }
0x15: {  	s15 =	simm.s32 $0x0;
	[sflag:s9] =	ssyncadd.s32 $0xFFFFD8F0  }
.LBB2_2:
0x16: {  	p0 =	sne.s32 s15, $0x9FC0  }
.Ltmp0:
0x17: {  	_ = 	snop;
	(pc) =	sbr.rel @p0 .LBB2_2-.Ltmp0, $3  }
0x18: {  	_ =	sdelay $0x1  }
0x19: {  	s16 =	sshra.s32 s15, $0x2  }
0x1a: {  	s15 =	sadd.s32 $0x40, s15;
	[tilespmem:s16+$0x4E20] =	vst v0  }
0x1b: {  	s16 =	simm.s32 $0x0;
	s15 =	simm.s32 $0x40  }
.LBB2_4:
0x1c: {  	p0 =	sne.s32 s15, $0x9C00;
	v2 =	vld [tilespmem:s16+$0x2710];
	_ =	sdelay $0x2  }
0x1d: {  	v3 =	vld [tilespmem:s16+$0x0];
	_ =	sdelay $0x1  }
0x1e: {  	vm0 =	vgt.f32 v2, $5.000000000e-01;
	_ =	sdelay $0x1  }
.Ltmp1:
0x1f: {  	(pc) =	sbr.rel @p0 .LBB2_4-.Ltmp1, $2  }
0x20: {  	_ =	sdelay $0x2  }
0x21: {  	s16 =	sshra.s32 s15, $0x2;
	s15 =	sadd.s32 $0x40, s15;
	[tilespmem:v3+s11+$0x0] =	vst.idx.msk vm0, v1  }
0x22: {  	v2 =	vld [tilespmem:s16+$0x2710];
	_ =	sdelay $0x2  }
0x23: {  	v3 =	vld [tilespmem:s16+$0x0];
	_ =	sdelay $0x1  }
0x24: {  	vm0 =	vgt.f32 v2, $5.000000000e-01;
	_ =	sdelay $0x5  }
0x25: {  	[tilespmem:v3+s11+$0x0] =	vst.idx.msk vm0, v1  }
0x26: {  	[spmem:s5] =	stream.linear.scatter [tilespmem:s11], [sflag:$0x1], $0x2800, $0x38;
	[tilespmem:$0xA320] =	vst v63  }
0x27: {  	_ =	swait.ge [sflag:s9], $0x2800  }
0x28: {  	[sflag:s9] =	ssyncset.done $0x0  }
0x29: {  	[sflag:s9] =	ssyncadd.s32 $0xFFFFD800  }
0x2a: {  	[bflag:$0x0] =	sbarrier.arrive $0xFFFF  }
0x2b: {  	[tilespmem:$0xA0A0] =	vst v0  }
0x2c: {  	[tilespmem:$0xA0B0] =	vst v0  }
0x2d: {  	[tilespmem:$0xA0C0] =	vst v0  }
0x2e: {  	[tilespmem:$0xA0D0] =	vst v0  }
0x2f: {  	[tilespmem:$0xA0E0] =	vst v0  }
0x30: {  	[tilespmem:$0xA0F0] =	vst v0  }
0x31: {  	[tilespmem:$0xA100] =	vst v0  }
0x32: {  	[tilespmem:$0xA110] =	vst v0  }
0x33: {  	[tilespmem:$0xA120] =	vst v0  }
0x34: {  	[tilespmem:$0xA130] =	vst v0  }
0x35: {  	[tilespmem:$0xA140] =	vst v0  }
0x36: {  	[tilespmem:$0xA150] =	vst v0  }
0x37: {  	[tilespmem:$0xA160] =	vst v0  }
0x38: {  	[tilespmem:$0xA170] =	vst v0  }
0x39: {  	[tilespmem:$0xA180] =	vst v0  }
0x3a: {  	[tilespmem:$0xA190] =	vst v0  }
0x3b: {  	[tilespmem:$0xA1A0] =	vst v0  }
0x3c: {  	[tilespmem:$0xA1B0] =	vst v0  }
0x3d: {  	[tilespmem:$0xA1C0] =	vst v0  }
0x3e: {  	[tilespmem:$0xA1D0] =	vst v0  }
0x3f: {  	[tilespmem:$0xA1E0] =	vst v0  }
0x40: {  	[tilespmem:$0xA1F0] =	vst v0  }
0x41: {  	[tilespmem:$0xA200] =	vst v0  }
0x42: {  	[tilespmem:$0xA210] =	vst v0  }
0x43: {  	[tilespmem:$0xA220] =	vst v0  }
0x44: {  	[tilespmem:$0xA230] =	vst v0  }
0x45: {  	[tilespmem:$0xA240] =	vst v0  }
0x46: {  	[tilespmem:$0xA250] =	vst v0  }
0x47: {  	[tilespmem:$0xA260] =	vst v0  }
0x48: {  	[tilespmem:$0xA270] =	vst v0  }
0x49: {  	[tilespmem:$0xA280] =	vst v0  }
0x4a: {  	[tilespmem:$0xA290] =	vst v0  }
0x4b: {  	[tilespmem:$0xA2A0] =	vst v0  }
0x4c: {  	[tilespmem:$0xA2B0] =	vst v0  }
0x4d: {  	[tilespmem:$0xA2C0] =	vst v0  }
0x4e: {  	[tilespmem:$0xA2D0] =	vst v0  }
0x4f: {  	[tilespmem:$0xA2E0] =	vst v0  }
0x50: {  	[tilespmem:$0xA2F0] =	vst v0  }
0x51: {  	[tilespmem:$0xA300] =	vst v0  }
0x52: {  	s15 =	simm.s32 $0x0;
	[tilespmem:$0xA310] =	vst v0  }
.LBB2_6:
0x53: {  	s16 =	smul.u32 $0xA000, s15;
	_ =	sdelay $0x1  }
0x54: {  	s16 =	sshra.s32 s16, $0x2  }
0x55: {  	s16 =	sadd.s32 s16, s6  }
0x56: {  	[tilespmem:s12], [sflag:$0x1] =	stream.linear.gather [spmem:s16], $0x280, $0x38;
	[tilespmem:$0xA320] =	vst v63  }
0x57: {  	_ =	swait.ge [sflag:s9], $0x280  }
0x58: {  	[sflag:s9] =	ssyncset.done $0x0  }
0x59: {  	s16 =	simm.s32 $0x0;
	[sflag:s9] =	ssyncadd.s32 $0xFFFFFD80  }
0x5a: {  	s17 =	simm.s32 $0x40;
	v2 =	vld [tilespmem:s16+$0x9E20]  }
.LBB2_7:
0x5b: {  	p0 =	sne.s32 s17, $0x9C0;
	v3 =	vld [tilespmem:s16+$0xA0A0];
	_ =	sdelay $0x1  }
.Ltmp2:
0x5c: {  	(pc) =	sbr.rel @p0 .LBB2_7-.Ltmp2, $3  }
0x5d: {  	_ =	sdelay $0x1  }
0x5e: {  	s18 =	sshra.s32 s17, $0x2;
	v3 =	vmax.f32 v3, v2  }
0x5f: {  	s17 =	sadd.s32 $0x40, s17;
	v2 =	vld [tilespmem:s18+$0x9E20];
	[tilespmem:s16+$0xA0A0] =	vst v3;
	s16 =	smov.u32 s18  }
0x60: {  	v3 =	vld [tilespmem:s16+$0xA0A0];
	s15 =	sadd.s32 $0x1, s15  }
0x61: {  	p0 =	sne.s32 s15, $0x10  }
.Ltmp3:
0x62: {  	_ = 	snop;
	(pc) =	sbr.rel @p0 .LBB2_6-.Ltmp3, $3  }
0x63: {  	_ =	sdelay $0x1  }
0x64: {  	v2 =	vmax.f32 v3, v2  }
0x65: {  	[tilespmem:s16+$0xA0A0] =	vst v2  }
0x66: {  	s14 =	sadd.s32 $0x1, s14  }
0x67: {  	p0 =	sne.s32 s14, s8  }
.Ltmp4:
0x68: {  	_ = 	snop;
	(pc) =	sbr.rel @p0 .LBB2_1-.Ltmp4, $4  }
0x69: {  	[hbm4b:s7+s2] =	stream.linear.scatter [tilespmem:s13], [sflag:$0x1], $0x280, $0x38;
	[tilespmem:$0xA320] =	vst v63  }
0x6a: {  	_ =	swait.ge [sflag:s9], $0x280  }
0x6b: {  	[sflag:s9] =	ssyncset.done $0x0  }
0x6c: {  	[sflag:s9] =	ssyncadd.s32 $0xFFFFFD80  }
0x6d: {  	_ =	sfence.sel $0x180000  }
0x6e: {  	[bflag:$0x0] =	sbarrier.arrive $0xFFFF  }
0x6f: {  	p0 =	sne.s32 s1, $0x0;
	_ =	strace $0x9000004A  }
0x70: {  	s0 =	sadd.s32 @!p0 $0x100000, s0;
	[bflag:$0x2] =	sbarrier.arrive $0xFFFF  }
0x71: {  	[sflag:s0] =	ssyncadd.tile.s32 @!p0 $0x1;
	_ =	shalt  }
.Lfunc_end2:
_tile_overlayer_lowered:
.L_overlay_start_2:
0x72: {  	(tag) =	ssettag $0x2  }
0x73: {  	s0 =	rddreg [dreg:$0x0];
	s2 =	stileid.u32  }
0x74: {  	s1 =	rddreg [dreg:$0x1];
	p0 =	sne.s32 s2, $0x0  }
0x75: {  	s3 =	rddreg [dreg:$0x2];
	[bflag:$0x3] =	sbarrier.arrive $0xFFFF;
	s2 =	simm.s32 @!p0 $0x1C01  }
0x76: {  	[timem:s3], [sflag:s2] =	dma.local @!p0 [hbm:s0], s1  }
0x77: {  	s0 =	simm.s32 @!p0 $0x1  }
0x78: {  	_ =	swait.ge @!p0 [sflag:s0], s1  }
0x79: {  	s1 =	ssub.s32 @!p0 $0x0, s1;
	[sflag:s0] =	ssyncset.done @!p0 $0x0  }
0x7a: {  	[sflag:s0] =	ssyncadd.s32 @!p0 s1  }
0x7b: {  	[bflag:$0x3] =	sbarrier.arrive $0xFFFF  }
0x7c: {  	_ =	shalt  }

// kernel: kernel.7.cloned.1.call-start
scs
__scs_entry_jumppad:
0x0: {  	(pc) =	sbr.rel $0x88, $3  }
0x1: {  	(tag) =	ssettag $0x0;
	lr =	simm.s32 $0x1  }
0x2: {  	[smem:$0x3F9A] =	sst lr;
	_ =	strace $0xD0000000  }
0x3: {  	_ = 	snop  }
0x4: {  	_ = 	snop  }
0x5: {  	_ = 	snop  }
0x6: {  	_ = 	snop  }
0x7: {  	_ = 	snop  }
__scs_overlays_trampoline_lowered:
0x8: {  	[smem:$0x3FA9] =	sst s0  }
0x9: {  	[smem:$0x3FAA] =	sst s1  }
0xa: {  	[smem:$0x3FAB] =	sst s2  }
0xb: {  	[smem:$0x3FAC] =	sst s3  }
0xc: {  	[smem:$0x3FAD] =	sst s4  }
0xd: {  	[smem:$0x3FAE] =	sst s5  }
0xe: {  	[smem:$0x3FAF] =	sst s6  }
0xf: {  	[smem:$0x3FB0] =	sst s7  }
0x10: {  	[smem:$0x3FB1] =	sst s8  }
0x11: {  	[smem:$0x3FB2] =	sst s9;
	s0 =	simm.s32 @!p0 $0x0  }
0x12: {  	s1 =	sld [smem:$0x3F98];
	s0 =	simm.s32 @p0 $0x1  }
0x13: {  	[smem:$0x3FB3] =	sst s0;
	s0 =	simm.s32 @!p1 $0x0  }
0x14: {  	s2 =	sld [smem:$0x3F97];
	s0 =	simm.s32 @p1 $0x1  }
0x15: {  	[smem:$0x3FB4] =	sst s0;
	s0 =	simm.s32 @!p2 $0x0  }
0x16: {  	s3 =	sld [smem:$0x3FDB];
	s0 =	simm.s32 @p2 $0x1  }
0x17: {  	s4 =	simm.s32 $0x1BF5;
	[smem:$0x3FB6] =	sst s0  }
0x18: {  	s0 =	sld [smem:$0x3F99];
	_ =	swait.ge [sflag:s4], $0x0  }
0x19: {  	s7 =	sld [smem:$0x3F9A]  }
0x1a: {  	s8 =	sadd.s32 $0xFFFFE003, lr  }
0x1b: {  	s9 =	sadd.s32 $0xFFFFFEF7, lr;
	s5 =	simm.s32 $0xFFFFFFFF;
	p2 =	slt.u32 s8, $0xFFFFF086  }
0x1c: {  	p1 =	slt.u32 s9, $0xF7A;
	s5 =	simm.s32 @!p2 $0x0  }
0x1d: {  	s5 =	simm.s32 @p1 $0x1;
	p0 =	seq.s32 s7, s2  }
0x1e: {  	s7 =	smul.u32 @!p0 $0xF7A, s2;
	p2 =	seq.s32 @!p0 s5, $0x0  }
0x1f: {  	s9 =	smul.u32 $0xF7A, s1;
	s8 =	simm.s32 @!p0 $0x1BF5;
	p2 =	por !p2, p0  }
0x20: {  	[sflag:s8] =	ssyncset.s32 @!p0 $0xFFFFF086;
	s6 =	sadd.s32 @!p0 s3, s7;
	s7 =	simm.s32 @!p0 $0x108  }
0x21: {  	s3 =	sadd.s32 s3, s9;
	s6 =	sadd.s32 @!p0 $0x88, s6;
	s7 =	simm.s32 @p2 $0x1082  }
0x22: {  	[simem:s7], [sflag:s8] =	dma.local @!p0 [hbm:s6], $0xF7A  }
0x23: {  	s9 =	sor.u32 $0xD0000000, s2;
	s6 =	simm.s32 $0x108;
	_ =	swait.ge @!p0 [sflag:s8], $0x0  }
0x24: {  	s3 =	sadd.s32 $0x88, s3;
	s6 =	simm.s32 @!p1 $0x1082;
	[sflag:s4] =	ssyncset.s32 $0xFFFFF086  }
0x25: {  	[simem:s6], [sflag:s4] =	dma.local [hbm:s3], $0xF7A  }
0x26: {  	[smem:$0x3F9A] =	sst s1;
	(tag) =	ssettag s2;
	_ =	strace s9  }
0x27: {  	s1 =	sld [smem:$0x3FAA]  }
0x28: {  	s2 =	sld [smem:$0x3FAB]  }
0x29: {  	s4 =	sld [smem:$0x3FAD]  }
0x2a: {  	p0 =	seq.s32 s5, $0x0;
	s5 =	sld [smem:$0x3FAE]  }
0x2b: {  	s6 =	sld [smem:$0x3FAF]  }
0x2c: {  	s7 =	sld [smem:$0x3FB0]  }
0x2d: {  	s3 =	simm.s32 $0x108;
	s8 =	sld [smem:$0x3FB1]  }
0x2e: {  	s3 =	simm.s32 @!p0 $0x1082;
	s9 =	sld [smem:$0x3FB2]  }
0x2f: {  	lr =	sadd.s32 s0, s3;
	s0 =	sld [smem:$0x3FA9]  }
0x30: {  	s3 =	sld [smem:$0x3FAC]  }
0x31: {  	[smem:$0x3FB5] =	sst s10  }
0x32: {  	s10 =	sld [smem:$0x3FB3];
	_ =	sdelay $0x3  }
0x33: {  	p0 =	seq.s32 s10, $0x1;
	s10 =	sld [smem:$0x3FB5];
	_ =	sdelay $0x3  }
0x34: {  	[smem:$0x3FB5] =	sst s10  }
0x35: {  	s10 =	sld [smem:$0x3FB4];
	_ =	sdelay $0x3  }
0x36: {  	p1 =	seq.s32 s10, $0x1;
	s10 =	sld [smem:$0x3FB5];
	_ =	sdelay $0x3  }
0x37: {  	[smem:$0x3FB5] =	sst s10  }
0x38: {  	s10 =	sld [smem:$0x3FB6]  }
0x39: {  	_ = 	snop;
	(pc) =	sbr.ind lr, $3  }
0x3a: {  	_ = 	snop  }
0x3b: {  	_ = 	snop  }
0x3c: {  	p2 =	seq.s32 s10, $0x1;
	s10 =	sld [smem:$0x3FB5]  }
0x3d: {  	_ =	shalt  }
0x3e: {  	_ =	shalt  }
0x3f: {  	_ =	shalt  }
0x40: {  	_ =	shalt  }
0x41: {  	_ =	shalt  }
0x42: {  	_ =	shalt  }
0x43: {  	_ =	shalt  }
0x44: {  	_ =	shalt  }
0x45: {  	_ =	shalt  }
0x46: {  	_ =	shalt  }
0x47: {  	_ =	shalt  }
0x48: {  	_ =	shalt  }
0x49: {  	_ =	shalt  }
0x4a: {  	_ =	shalt  }
0x4b: {  	_ =	shalt  }
0x4c: {  	_ =	shalt  }
0x4d: {  	_ =	shalt  }
0x4e: {  	_ =	shalt  }
0x4f: {  	_ =	shalt  }
0x50: {  	_ =	shalt  }
0x51: {  	_ =	shalt  }
0x52: {  	_ =	shalt  }
0x53: {  	_ =	shalt  }
0x54: {  	_ =	shalt  }
0x55: {  	_ =	shalt  }
0x56: {  	_ =	shalt  }
0x57: {  	_ =	shalt  }
0x58: {  	_ =	shalt  }
0x59: {  	_ =	shalt  }
0x5a: {  	_ =	shalt  }
0x5b: {  	_ =	shalt  }
0x5c: {  	_ =	shalt  }
0x5d: {  	_ =	shalt  }
0x5e: {  	_ =	shalt  }
0x5f: {  	_ =	shalt  }
0x60: {  	_ =	shalt  }
0x61: {  	_ =	shalt  }
0x62: {  	_ =	shalt  }
0x63: {  	_ =	shalt  }
0x64: {  	_ =	shalt  }
0x65: {  	_ =	shalt  }
0x66: {  	_ =	shalt  }
0x67: {  	_ =	shalt  }
0x68: {  	_ =	shalt  }
0x69: {  	_ =	shalt  }
0x6a: {  	_ =	shalt  }
0x6b: {  	_ =	shalt  }
0x6c: {  	_ =	shalt  }
0x6d: {  	_ =	shalt  }
0x6e: {  	_ =	shalt  }
0x6f: {  	_ =	shalt  }
0x70: {  	_ =	shalt  }
0x71: {  	_ =	shalt  }
0x72: {  	_ =	shalt  }
0x73: {  	_ =	shalt  }
0x74: {  	_ =	shalt  }
0x75: {  	_ =	shalt  }
0x76: {  	_ =	shalt  }
0x77: {  	_ =	shalt  }
0x78: {  	_ =	shalt  }
0x79: {  	_ =	shalt  }
0x7a: {  	_ =	shalt  }
0x7b: {  	_ =	shalt  }
0x7c: {  	_ =	shalt  }
0x7d: {  	_ =	shalt  }
0x7e: {  	_ =	shalt  }
0x7f: {  	_ =	shalt  }
0x80: {  	_ =	shalt  }
0x81: {  	_ =	shalt  }
0x82: {  	_ =	shalt  }
0x83: {  	_ =	shalt  }
0x84: {  	_ =	shalt  }
0x85: {  	_ =	shalt  }
0x86: {  	_ =	shalt  }
0x87: {  	_ =	shalt  }
.Lfunc_end0:
.L_simem_size_0:
called_computation_lowered:
.L_overlay_start_0:
0x88: {  	s2 =	sld [smem:$0x3FD9]  }
0x89: {  	s3 =	sld [smem:$0x3FFE];
	_ =	sdelay $0x1  }
0x8a: {  	s1 =	srdreg.scid  }
0x8b: {  	s0 =	sand.u32 $0x1, s1  }
0x8c: {  	s14 =	sshll.u32 s0, $0xA;
	s2 =	sadd.s32 s3, s2  }
0x8d: {  	s2 =	sadd.s32 s2, s14  }
0x8e: {  	[smem:$0x3FC1] =	sst s2  }
0x8f: {  	_ = 	snop  }
0x90: {  	s2 =	sld [smem:$0x3FD0];
	_ =	sdelay $0x2  }
0x91: {  	s15 =	simm.s32 $0xA;
	s4 =	simm.s32 $0x10  }
0x92: {  	[smem:s4], [sflag:s15] =	dma.local [hbm:s2], $0x1  }
0x93: {  	_ =	swait.eq [sflag:s15], $0x1  }
0x94: {  	[sflag:s15] =	ssyncset.done $0x0  }
0x95: {  	[sflag:s15] =	ssyncadd.s32 $0xFFFFFFFF  }
0x96: {  	s16 =	sld [smem:$0x10];
	(tm) =	ssettm $0x1  }
0x97: {  	s17 =	sld [smem:$0x3FFB];
	_ =	sdelay $0x3  }
0x98: {  	_ =	strace s17  }
0x99: {  	s3 =	sld [smem:$0x3FFC];
	_ =	sdelay $0x3  }
0x9a: {  	_ =	strace s3  }
0x9b: {  	s3 =	sld [smem:$0x3FFD];
	_ =	sdelay $0x3  }
0x9c: {  	_ =	strace s3  }
0x9d: {  	_ =	strace $0x8FFFFFFF  }
0x9e: {  	s18 =	sld [smem:$0x3FDB];
	_ =	sdelay $0x1  }
0x9f: {  	s19 =	simm.s32 $_scs_section_size  }
0xa0: {  	s5 =	simm.s32 $_size__tile_overlayer_lowered;
	s6 =	simm.s32 $_tile_overlayer_lowered  }
0xa1: {  	s22 =	simm.s32 $0x1BFF;
	s21 =	sshll.u32 s6, $0x1;
	s3 =	sadd.s32 s19, s18  }
0xa2: {  	s7 =	simm.s32 $0x0;
	s20 =	sshll.u32 s5, $0x1;
	s5 =	sadd.s32 s21, s3  }
0xa3: {  	[timem:s7], [sflag:s22] =	dma.local [hbm:s5], s20  }
0xa4: {  	_ =	swait.ge [sflag:s22], s20  }
0xa5: {  	s4 =	ssub.s32 $0x0, s20;
	[sflag:s22] =	ssyncset.done $0x0  }
0xa6: {  	[sflag:s22] =	ssyncadd.s32 s4;
	_ =	sdelay $0x1  }
0xa7: {  	s23 =	simm.s32 $0x1B8B  }
0xa8: {  	_ =	swait.ge [sflag:s23], $0x1  }
0xa9: {  	[sflag:s23] =	ssyncset.done $0x0  }
0xaa: {  	s25 =	simm.s32 $0x1B8E;
	s24 =	sld [smem:$0x3FFE];
	[sflag:s23] =	ssyncadd.s32 $0xFFFFFFFF  }
0xab: {  	s26 =	simm.s32 $execute0_lowered;
	[smem:$0x3FD2] =	sst s25  }
0xac: {  	s5 =	sshll.u32 s26, $0x1;
	_ =	strace $0x80000046;
	[dreg:$0x1] =	wrdreg $0xFFFFFFFF  }
0xad: {  	s28 =	simm.s32 $_size_execute0_lowered;
	s3 =	sadd.s32 s3, s5;
	[dreg:$0x0] =	wrdreg $0x0  }
0xae: {  	s5 =	sshll.u32 s28, $0x1;
	[dreg:$0x2] =	wrdreg s3  }
0xaf: {  	[dreg:$0x3] =	wrdreg s5  }
0xb0: {  	[dreg:$0x4] =	wrdreg $0xC0  }
0xb1: {  	_ =	task [dreg:s7], $0x5FFFF  }
0xb2: {  	[dreg:$0x1] =	wrdreg $0xFFFFFFFF  }
0xb3: {  	[dreg:$0x0] =	wrdreg $0x60  }
0xb4: {  	[dreg:$0x2] =	wrdreg s24  }
0xb5: {  	[dreg:$0x3] =	wrdreg s16  }
0xb6: {  	[dreg:$0x4] =	wrdreg $0x9  }
0xb7: {  	_ =	task.clear_ibuf [dreg:s7], $0x5FFFF;
	_ =	strace $0x90000046  }
0xb8: {  	s29 =	simm.s32 $0x9;
	_ =	strace $0x80000048  }
0xb9: {  	_ =	swait.ge [sflag:s29], $0x1  }
0xba: {  	[sflag:s29] =	ssyncadd.s32 $0xFFFFFFFF  }
0xbb: {  	_ =	strace $0x90000048  }
0xbc: {  	_ =	sfence  }
0xbd: {  	s30 =	sld [smem:$0x0];
	_ =	sdelay $0x2  }
0xbe: {  	s31 =	sshll.u32 s1, $0xD;
	s1 =	sshrl.u32 s1, $0x2  }
0xbf: {  	s3 =	sand.u32 $0x4000, s31;
	s1 =	sadd.s32 s1, s30  }
0xc0: {  	s0 =	sor.u32 s3, s0;
	s1 =	sshll.u32 s1, $0x11  }
0xc1: {  	s0 =	sor.u32 s1, s0  }
0xc2: {  	s0 =	sadd.s32 $0x8F2B, s0  }
0xc3: {  	[sflag:s0] =	ssyncadd.remote.s32 $0x1  }
0xc4: {  	_ =	sfence.sel $0xFFFF  }
0xc5: {  	[dreg:$0x0] =	wrdreg $0xFFFFFFFF;
	(pc) =	sbr.abs _section_cstart, $3  }
0xc6: {  	[dreg:$0x1] =	wrdreg $0xFFFFFFFF  }
0xc7: {  	_ =	task.clear_ibuf [dreg:s7], $0x2FFFF;
	_ =	strace $0x9FFFFFFF  }
0xc8: {  	(tm) =	ssettm $0x7FFFFFFF  }
0xc9: {  	_ =	shalt  }
tec
execute0_lowered:
.L_overlay_start_1:
0x0: {  	(tag) =	ssettag $0x1  }
0x1: {  	s0 =	rddreg [dreg:$0x0]  }
0x2: {  	s1 =	rddreg [dreg:$0x1];
	s2 =	srdreg.scid  }
0x3: {  	s3 =	stileid.u32;
	s5 =	simm.s32 $0x0;
	s9 =	simm.s32 $0x14000  }
0x4: {  	s10 =	simm.s32 $0x9;
	s12 =	simm.s32 $0x7D;
	s13 =	simm.s32 $0x5000  }
0x5: {  	s14 =	simm.s32 $0x6F40;
	s15 =	simm.s32 $0x5FA0;
	s16 =	simm.s32 $0x7EE0  }
0x6: {  	s17 =	simm.s32 $0x1;
	s18 =	simm.s32 $0x3;
	s19 =	simm.s32 $0x20  }
0x7: {  	s20 =	simm.s32 $0x80;
	s21 =	simm.s32 $0x5;
	s22 =	simm.s32 $0x7  }
0x8: {  	s23 =	simm.s32 $0x2;
	s24 =	simm.s32 $0x4;
	s25 =	simm.s32 $0x6  }
0x9: {  	s26 =	simm.s32 $0x8;
	s2 =	sand.u32 $0x1, s2;
	s4 =	smul.u32 $0x9C400, s3  }
0xa: {  	s28 =	simm.s32 $0x0;
	s30 =	sshll.u32 s3, $0x1;
	s6 =	smul.u32 $0x4E200, s2  }
0xb: {  	[smem:$0x7FF] =	sst s5;
	s3 =	sadd.s32 $0x15C00, s0;
	s5 =	sor.u32 s2, s30  }
0xc: {  	s2 =	ssub.s32 $0x2, s2;
	s5 =	smul.u32 $0x140, s5;
	s6 =	sadd.s32 s6, s4  }
0xd: {  	_ =	strace $0x80000047;
	s7 =	sshrl.u32 s2, $0x1;
	s6 =	sshrl.u32 s6, $0x3  }
0xe: {  	s4 =	sadd.s32 $0x1FA00, s0;
	s8 =	sadd.s32 s5, s0;
	s0 =	sadd.s32 s6, s0  }
0xf: {  	s2 =	ssub.s32 s2, s7;
	s5 =	sadd.s32 s1, s5;
	s31 =	sadd.s32 $0x29800, s0  }
0x10: {  	s7 =	smax.u32 s2, $0x1;
	s0 =	sadd.s32 $0x162000, s0;
	[dreg:$0x3] =	wrdreg s31  }
0x11: {  	s6 =	sadd.s32 $0xBC00, s8;
	s8 =	simm.s32 $0xA00;
	[dreg:$0x4] =	wrdreg s0  }
.LBB2_1:
0x12: {  	s0 =	simm.s32 $0x0  }
0x13: {  	[tilespmem:s0], [sflag:$0x9] =	stream.strided.gather [hbm4b:s5+s8], $0x2800, s9, s8, $0x38;
	[tilespmem:$0x8E80] =	vst v63  }
0x14: {  	_ =	swait.ge [sflag:s10], $0x2800  }
0x15: {  	[sflag:s10] =	ssyncset.done $0x0  }
0x16: {  	s11 =	simm.s32 $0x2800;
	[sflag:s10] =	ssyncadd.s32 $0xFFFFD800  }
0x17: {  	[tilespmem:s11], [sflag:$0x9] =	stream.strided.gather [hbm4b:s6+s8], $0x2800, s9, s8, $0x38;
	[tilespmem:$0x8E80] =	vst v63  }
0x18: {  	_ =	swait.ge [sflag:s10], $0x2800  }
0x19: {  	[sflag:s10] =	ssyncset.done $0x0  }
0x1a: {  	s1 =	simm.s32 $0x0;
	[sflag:s10] =	ssyncadd.s32 $0xFFFFD800  }
0x1b: {  	[tilespmem:s13], [sflag:$0x1] =	stream.indirect.gather [hbm4b:s3+s12], $0x20, s1, s12, $0xb8;
	[tilespmem:$0x8E80] =	vst v63  }
0x1c: {  	s2 =	simm.s32 $0x2800  }
0x1d: {  	[tilespmem:s14], [sflag:$0x3] =	stream.indirect.gather [hbm4b:s4+s12], $0x20, s2, s12, $0xb8;
	[tilespmem:$0x8E80] =	vst v63  }
0x1e: {  	s11 =	simm.s32 $0xA00  }
0x1f: {  	[tilespmem:s15], [sflag:$0x2] =	stream.indirect.gather [hbm4b:s3+s12], $0x20, s11, s12, $0xb8;
	[tilespmem:$0x8E80] =	vst v63  }
0x20: {  	s1 =	simm.s32 $0x3200  }
0x21: {  	[tilespmem:s16], [sflag:$0x4] =	stream.indirect.gather [hbm4b:s4+s12], $0x20, s1, s12, $0xb8;
	[tilespmem:$0x8E80] =	vst v63  }
0x22: {  	_ =	swait.ge [sflag:s17], $0xFA0  }
0x23: {  	[sflag:s17] =	ssyncset.done $0x0  }
0x24: {  	[sflag:s17] =	ssyncadd.s32 $0xFFFFF060  }
0x25: {  	_ =	swait.ge [sflag:s18], $0xFA0  }
0x26: {  	s2 =	rddreg [dreg:$0x3];
	[sflag:s18] =	ssyncset.done $0x0  }
0x27: {  	s1 =	rddreg [dreg:$0x4];
	[sflag:s18] =	ssyncadd.s32 $0xFFFFF060;
	s0 =	sadd.s32 $0x0, s2  }
0x28: {  	[hbm4b:s0+s19] =	stream.strided.scatter [tilespmem:s13], [sflag:$0x5], $0xFA0, s20, s19, $0x38;
	[tilespmem:$0x8E80] =	vst v63  }
0x29: {  	s1 =	sadd.s32 $0x0, s1  }
0x2a: {  	[hbm4b:s1+s19] =	stream.strided.scatter [tilespmem:s14], [sflag:$0x7], $0xFA0, s20, s19, $0x38;
	[tilespmem:$0x8E80] =	vst v63  }
0x2b: {  	_ =	swait.ge [sflag:s21], $0xFA0  }
0x2c: {  	[sflag:s21] =	ssyncset.done $0x0  }
0x2d: {  	[sflag:s21] =	ssyncadd.s32 $0xFFFFF060  }
0x2e: {  	_ =	swait.ge [sflag:s22], $0xFA0  }
0x2f: {  	[sflag:s22] =	ssyncset.done $0x0  }
0x30: {  	s2 =	simm.s32 $0x1400;
	[sflag:s22] =	ssyncadd.s32 $0xFFFFF060  }
0x31: {  	[tilespmem:s13], [sflag:$0x1] =	stream.indirect.gather [hbm4b:s3+s12], $0x20, s2, s12, $0xb8;
	[tilespmem:$0x8E80] =	vst v63  }
0x32: {  	s11 =	simm.s32 $0x3C00  }
0x33: {  	[tilespmem:s14], [sflag:$0x3] =	stream.indirect.gather [hbm4b:s4+s12], $0x20, s11, s12, $0xb8;
	[tilespmem:$0x8E80] =	vst v63  }
0x34: {  	_ =	swait.ge [sflag:s23], $0xFA0  }
0x35: {  	[sflag:s23] =	ssyncset.done $0x0  }
0x36: {  	[sflag:s23] =	ssyncadd.s32 $0xFFFFF060  }
0x37: {  	_ =	swait.ge [sflag:s24], $0xFA0  }
0x38: {  	[sflag:s24] =	ssyncset.done $0x0  }
0x39: {  	s11 =	sadd.s32 $0x4, s0;
	[sflag:s24] =	ssyncadd.s32 $0xFFFFF060  }
0x3a: {  	[hbm4b:s11+s19] =	stream.strided.scatter [tilespmem:s15], [sflag:$0x6], $0xFA0, s20, s19, $0x38;
	[tilespmem:$0x8E80] =	vst v63  }
0x3b: {  	s11 =	sadd.s32 $0x4, s1  }
0x3c: {  	[hbm4b:s11+s19] =	stream.strided.scatter [tilespmem:s16], [sflag:$0x8], $0xFA0, s20, s19, $0x38;
	[tilespmem:$0x8E80] =	vst v63  }
0x3d: {  	_ =	swait.ge [sflag:s25], $0xFA0  }
0x3e: {  	[sflag:s25] =	ssyncset.done $0x0  }
0x3f: {  	[sflag:s25] =	ssyncadd.s32 $0xFFFFF060  }
0x40: {  	_ =	swait.ge [sflag:s26], $0xFA0  }
0x41: {  	[sflag:s26] =	ssyncset.done $0x0  }
0x42: {  	s11 =	simm.s32 $0x1E00;
	[sflag:s26] =	ssyncadd.s32 $0xFFFFF060  }
0x43: {  	[tilespmem:s15], [sflag:$0x2] =	stream.indirect.gather [hbm4b:s3+s12], $0x20, s11, s12, $0xb8;
	[tilespmem:$0x8E80] =	vst v63  }
0x44: {  	s11 =	simm.s32 $0x4600  }
0x45: {  	[tilespmem:s16], [sflag:$0x4] =	stream.indirect.gather [hbm4b:s4+s12], $0x20, s11, s12, $0xb8;
	[tilespmem:$0x8E80] =	vst v63  }
0x46: {  	_ =	swait.ge [sflag:s17], $0xFA0  }
0x47: {  	[sflag:s17] =	ssyncset.done $0x0  }
0x48: {  	[sflag:s17] =	ssyncadd.s32 $0xFFFFF060  }
0x49: {  	_ =	swait.ge [sflag:s18], $0xFA0  }
0x4a: {  	[sflag:s18] =	ssyncset.done $0x0  }
0x4b: {  	s11 =	sadd.s32 $0x8, s0;
	[sflag:s18] =	ssyncadd.s32 $0xFFFFF060  }
0x4c: {  	[hbm4b:s11+s19] =	stream.strided.scatter [tilespmem:s13], [sflag:$0x5], $0xFA0, s20, s19, $0x38;
	[tilespmem:$0x8E80] =	vst v63  }
0x4d: {  	s11 =	sadd.s32 $0x8, s1  }
0x4e: {  	[hbm4b:s11+s19] =	stream.strided.scatter [tilespmem:s14], [sflag:$0x7], $0xFA0, s20, s19, $0x38;
	[tilespmem:$0x8E80] =	vst v63  }
0x4f: {  	_ =	swait.ge [sflag:s23], $0xFA0  }
0x50: {  	[sflag:s23] =	ssyncset.done $0x0  }
0x51: {  	[sflag:s23] =	ssyncadd.s32 $0xFFFFF060  }
0x52: {  	_ =	swait.ge [sflag:s24], $0xFA0  }
0x53: {  	[sflag:s24] =	ssyncset.done $0x0  }
0x54: {  	s0 =	sadd.s32 $0xC, s0;
	[sflag:s24] =	ssyncadd.s32 $0xFFFFF060  }
0x55: {  	[hbm4b:s0+s19] =	stream.strided.scatter [tilespmem:s15], [sflag:$0x6], $0xFA0, s20, s19, $0x38;
	[tilespmem:$0x8E80] =	vst v63  }
0x56: {  	s11 =	sadd.s32 $0xC, s1  }
0x57: {  	[hbm4b:s11+s19] =	stream.strided.scatter [tilespmem:s16], [sflag:$0x8], $0xFA0, s20, s19, $0x38;
	[tilespmem:$0x8E80] =	vst v63  }
0x58: {  	_ =	swait.ge [sflag:s21], $0xFA0  }
0x59: {  	[sflag:s21] =	ssyncset.done $0x0  }
0x5a: {  	[sflag:s21] =	ssyncadd.s32 $0xFFFFF060  }
0x5b: {  	_ =	swait.ge [sflag:s22], $0xFA0  }
0x5c: {  	[sflag:s22] =	ssyncset.done $0x0  }
0x5d: {  	[sflag:s22] =	ssyncadd.s32 $0xFFFFF060  }
0x5e: {  	_ =	swait.ge [sflag:s25], $0xFA0  }
0x5f: {  	[sflag:s25] =	ssyncset.done $0x0  }
0x60: {  	[sflag:s25] =	ssyncadd.s32 $0xFFFFF060  }
0x61: {  	s29 =	simm.s32 $0x7D0;
	_ =	swait.ge [sflag:s26], $0xFA0  }
0x62: {  	s30 =	simm.s32 $0xFA0;
	s31 =	simm.s32 $0x200;
	[sflag:s26] =	ssyncset.done $0x0  }
.LBB2_2:
0x63: {  	s0 =	sshra.s32 s31, $0x2;
	[sflag:s26] =	ssyncadd.s32 $0xFFFFF060  }
0x64: {  	[tilespmem:s13], [sflag:$0x1] =	stream.indirect.gather [hbm4b:s3+s12], $0x20, s0, s12, $0xb8;
	[tilespmem:$0x8E80] =	vst v63  }
0x65: {  	s1 =	sadd.s32 $0x2800, s0  }
0x66: {  	[tilespmem:s14], [sflag:$0x3] =	stream.indirect.gather [hbm4b:s4+s12], $0x20, s1, s12, $0xb8;
	[tilespmem:$0x8E80] =	vst v63  }
0x67: {  	s2 =	sadd.s32 $0xA00, s0  }
0x68: {  	[tilespmem:s15], [sflag:$0x2] =	stream.indirect.gather [hbm4b:s3+s12], $0x20, s2, s12, $0xb8;
	[tilespmem:$0x8E80] =	vst v63  }
0x69: {  	s2 =	sadd.s32 $0x3200, s0  }
0x6a: {  	[tilespmem:s16], [sflag:$0x4] =	stream.indirect.gather [hbm4b:s4+s12], $0x20, s2, s12, $0xb8;
	[tilespmem:$0x8E80] =	vst v63  }
0x6b: {  	_ =	swait.ge [sflag:s17], $0xFA0  }
0x6c: {  	[sflag:s17] =	ssyncset.done $0x0  }
0x6d: {  	[sflag:s17] =	ssyncadd.s32 $0xFFFFF060  }
0x6e: {  	_ =	swait.ge [sflag:s18], $0xFA0  }
0x6f: {  	s1 =	rddreg [dreg:$0x3];
	[sflag:s18] =	ssyncset.done $0x0  }
0x70: {  	s2 =	rddreg [dreg:$0x4];
	[sflag:s18] =	ssyncadd.s32 $0xFFFFF060;
	s1 =	sadd.s32 s29, s1  }
0x71: {  	[hbm4b:s1+s19] =	stream.strided.scatter [tilespmem:s13], [sflag:$0x5], $0xFA0, s20, s19, $0x38;
	[tilespmem:$0x8E80] =	vst v63  }
0x72: {  	s2 =	sadd.s32 s29, s2  }
0x73: {  	[hbm4b:s2+s19] =	stream.strided.scatter [tilespmem:s14], [sflag:$0x7], $0xFA0, s20, s19, $0x38;
	[tilespmem:$0x8E80] =	vst v63  }
0x74: {  	_ =	swait.ge [sflag:s21], $0xFA0  }
0x75: {  	[sflag:s21] =	ssyncset.done $0x0  }
0x76: {  	[sflag:s21] =	ssyncadd.s32 $0xFFFFF060  }
0x77: {  	_ =	swait.ge [sflag:s22], $0xFA0  }
0x78: {  	s11 =	smov.u32 s30;
	[sflag:s22] =	ssyncset.done $0x0  }
0x79: {  	s29 =	smov.u32 s11;
	s11 =	sadd.s32 $0x1400, s0;
	[sflag:s22] =	ssyncadd.s32 $0xFFFFF060  }
0x7a: {  	[tilespmem:s13], [sflag:$0x1] =	stream.indirect.gather [hbm4b:s3+s12], $0x20, s11, s12, $0xb8;
	[tilespmem:$0x8E80] =	vst v63  }
0x7b: {  	s11 =	sadd.s32 $0x3C00, s0  }
0x7c: {  	[tilespmem:s14], [sflag:$0x3] =	stream.indirect.gather [hbm4b:s4+s12], $0x20, s11, s12, $0xb8;
	[tilespmem:$0x8E80] =	vst v63  }
0x7d: {  	_ =	swait.ge [sflag:s23], $0xFA0  }
0x7e: {  	[sflag:s23] =	ssyncset.done $0x0  }
0x7f: {  	[sflag:s23] =	ssyncadd.s32 $0xFFFFF060  }
0x80: {  	_ =	swait.ge [sflag:s24], $0xFA0  }
0x81: {  	[sflag:s24] =	ssyncset.done $0x0  }
0x82: {  	s11 =	sadd.s32 $0x4, s1;
	[sflag:s24] =	ssyncadd.s32 $0xFFFFF060  }
0x83: {  	[hbm4b:s11+s19] =	stream.strided.scatter [tilespmem:s15], [sflag:$0x6], $0xFA0, s20, s19, $0x38;
	[tilespmem:$0x8E80] =	vst v63  }
0x84: {  	s11 =	sadd.s32 $0x4, s2  }
0x85: {  	[hbm4b:s11+s19] =	stream.strided.scatter [tilespmem:s16], [sflag:$0x8], $0xFA0, s20, s19, $0x38;
	[tilespmem:$0x8E80] =	vst v63  }
0x86: {  	_ =	swait.ge [sflag:s25], $0xFA0  }
0x87: {  	[sflag:s25] =	ssyncset.done $0x0  }
0x88: {  	[sflag:s25] =	ssyncadd.s32 $0xFFFFF060  }
0x89: {  	_ =	swait.ge [sflag:s26], $0xFA0  }
0x8a: {  	[sflag:s26] =	ssyncset.done $0x0  }
0x8b: {  	s11 =	sadd.s32 $0x1E00, s0;
	[sflag:s26] =	ssyncadd.s32 $0xFFFFF060  }
0x8c: {  	[tilespmem:s15], [sflag:$0x2] =	stream.indirect.gather [hbm4b:s3+s12], $0x20, s11, s12, $0xb8;
	[tilespmem:$0x8E80] =	vst v63  }
0x8d: {  	s0 =	sadd.s32 $0x4600, s0  }
0x8e: {  	[tilespmem:s16], [sflag:$0x4] =	stream.indirect.gather [hbm4b:s4+s12], $0x20, s0, s12, $0xb8;
	[tilespmem:$0x8E80] =	vst v63  }
0x8f: {  	_ =	swait.ge [sflag:s17], $0xFA0  }
0x90: {  	[sflag:s17] =	ssyncset.done $0x0  }
0x91: {  	[sflag:s17] =	ssyncadd.s32 $0xFFFFF060  }
0x92: {  	_ =	swait.ge [sflag:s18], $0xFA0  }
0x93: {  	[sflag:s18] =	ssyncset.done $0x0  }
0x94: {  	s11 =	sadd.s32 $0x8, s1;
	[sflag:s18] =	ssyncadd.s32 $0xFFFFF060  }
0x95: {  	[hbm4b:s11+s19] =	stream.strided.scatter [tilespmem:s13], [sflag:$0x5], $0xFA0, s20, s19, $0x38;
	[tilespmem:$0x8E80] =	vst v63  }
0x96: {  	s11 =	sadd.s32 $0x8, s2  }
0x97: {  	[hbm4b:s11+s19] =	stream.strided.scatter [tilespmem:s14], [sflag:$0x7], $0xFA0, s20, s19, $0x38;
	[tilespmem:$0x8E80] =	vst v63  }
0x98: {  	_ =	swait.ge [sflag:s23], $0xFA0  }
0x99: {  	[sflag:s23] =	ssyncset.done $0x0  }
0x9a: {  	[sflag:s23] =	ssyncadd.s32 $0xFFFFF060  }
0x9b: {  	_ =	swait.ge [sflag:s24], $0xFA0  }
0x9c: {  	[sflag:s24] =	ssyncset.done $0x0  }
0x9d: {  	s1 =	sadd.s32 $0xC, s1;
	[sflag:s24] =	ssyncadd.s32 $0xFFFFF060  }
0x9e: {  	[hbm4b:s1+s19] =	stream.strided.scatter [tilespmem:s15], [sflag:$0x6], $0xFA0, s20, s19, $0x38;
	[tilespmem:$0x8E80] =	vst v63  }
0x9f: {  	s11 =	sadd.s32 $0xC, s2  }
0xa0: {  	[hbm4b:s11+s19] =	stream.strided.scatter [tilespmem:s16], [sflag:$0x8], $0xFA0, s20, s19, $0x38;
	[tilespmem:$0x8E80] =	vst v63  }
0xa1: {  	_ =	swait.ge [sflag:s21], $0xFA0  }
0xa2: {  	[sflag:s21] =	ssyncset.done $0x0  }
0xa3: {  	[sflag:s21] =	ssyncadd.s32 $0xFFFFF060  }
0xa4: {  	_ =	swait.ge [sflag:s22], $0xFA0  }
0xa5: {  	[sflag:s22] =	ssyncset.done $0x0  }
0xa6: {  	p0 =	sne.s32 s30, $0x9470;
	[sflag:s22] =	ssyncadd.s32 $0xFFFFF060  }
.Ltmp0:
0xa7: {  	_ =	swait.ge [sflag:s25], $0xFA0;
	(pc) =	sbr.rel @p0 .LBB2_2-.Ltmp0, $4  }
0xa8: {  	[sflag:s25] =	ssyncset.done $0x0  }
0xa9: {  	[sflag:s25] =	ssyncadd.s32 $0xFFFFF060  }
0xaa: {  	_ =	swait.ge [sflag:s26], $0xFA0  }
0xab: {  	s30 =	sadd.s32 $0x7D0, s30;
	s31 =	sadd.s32 $0x200, s31;
	[sflag:s26] =	ssyncset.done $0x0  }
0xac: {  	s0 =	sshra.s32 s31, $0x2;
	[sflag:s26] =	ssyncadd.s32 $0xFFFFF060  }
0xad: {  	[tilespmem:s13], [sflag:$0x1] =	stream.indirect.gather [hbm4b:s3+s12], $0x20, s0, s12, $0xb8;
	[tilespmem:$0x8E80] =	vst v63  }
0xae: {  	s1 =	sadd.s32 $0x2800, s0  }
0xaf: {  	[tilespmem:s14], [sflag:$0x3] =	stream.indirect.gather [hbm4b:s4+s12], $0x20, s1, s12, $0xb8;
	[tilespmem:$0x8E80] =	vst v63  }
0xb0: {  	s2 =	sadd.s32 $0xA00, s0  }
0xb1: {  	[tilespmem:s15], [sflag:$0x2] =	stream.indirect.gather [hbm4b:s3+s12], $0x20, s2, s12, $0xb8;
	[tilespmem:$0x8E80] =	vst v63  }
0xb2: {  	s11 =	sadd.s32 $0x3200, s0  }
0xb3: {  	[tilespmem:s16], [sflag:$0x4] =	stream.indirect.gather [hbm4b:s4+s12], $0x20, s11, s12, $0xb8;
	[tilespmem:$0x8E80] =	vst v63  }
0xb4: {  	_ =	swait.ge [sflag:s17], $0xFA0  }
0xb5: {  	[sflag:s17] =	ssyncset.done $0x0  }
0xb6: {  	[sflag:s17] =	ssyncadd.s32 $0xFFFFF060  }
0xb7: {  	_ =	swait.ge [sflag:s18], $0xFA0  }
0xb8: {  	s30 =	rddreg [dreg:$0x3];
	[sflag:s18] =	ssyncset.done $0x0  }
0xb9: {  	s2 =	rddreg [dreg:$0x4];
	[sflag:s18] =	ssyncadd.s32 $0xFFFFF060;
	s1 =	sadd.s32 s29, s30  }
0xba: {  	[hbm4b:s1+s19] =	stream.strided.scatter [tilespmem:s13], [sflag:$0x5], $0xFA0, s20, s19, $0x38;
	[tilespmem:$0x8E80] =	vst v63  }
0xbb: {  	s2 =	sadd.s32 s29, s2  }
0xbc: {  	[hbm4b:s2+s19] =	stream.strided.scatter [tilespmem:s14], [sflag:$0x7], $0xFA0, s20, s19, $0x38;
	[tilespmem:$0x8E80] =	vst v63  }
0xbd: {  	_ =	swait.ge [sflag:s21], $0xFA0  }
0xbe: {  	[sflag:s21] =	ssyncset.done $0x0  }
0xbf: {  	[sflag:s21] =	ssyncadd.s32 $0xFFFFF060  }
0xc0: {  	_ =	swait.ge [sflag:s22], $0xFA0  }
0xc1: {  	[sflag:s22] =	ssyncset.done $0x0  }
0xc2: {  	s11 =	sadd.s32 $0x1400, s0;
	[sflag:s22] =	ssyncadd.s32 $0xFFFFF060  }
0xc3: {  	[tilespmem:s13], [sflag:$0x1] =	stream.indirect.gather [hbm4b:s3+s12], $0x20, s11, s12, $0xb8;
	[tilespmem:$0x8E80] =	vst v63  }
0xc4: {  	s31 =	sadd.s32 $0x3C00, s0  }
0xc5: {  	[tilespmem:s14], [sflag:$0x3] =	stream.indirect.gather [hbm4b:s4+s12], $0x20, s31, s12, $0xb8;
	[tilespmem:$0x8E80] =	vst v63  }
0xc6: {  	_ =	swait.ge [sflag:s23], $0xFA0  }
0xc7: {  	[sflag:s23] =	ssyncset.done $0x0  }
0xc8: {  	[sflag:s23] =	ssyncadd.s32 $0xFFFFF060  }
0xc9: {  	_ =	swait.ge [sflag:s24], $0xFA0  }
0xca: {  	[sflag:s24] =	ssyncset.done $0x0  }
0xcb: {  	s29 =	sadd.s32 $0x4, s1;
	[sflag:s24] =	ssyncadd.s32 $0xFFFFF060  }
0xcc: {  	[hbm4b:s29+s19] =	stream.strided.scatter [tilespmem:s15], [sflag:$0x6], $0xFA0, s20, s19, $0x38;
	[tilespmem:$0x8E80] =	vst v63  }
0xcd: {  	s30 =	sadd.s32 $0x4, s2  }
0xce: {  	[hbm4b:s30+s19] =	stream.strided.scatter [tilespmem:s16], [sflag:$0x8], $0xFA0, s20, s19, $0x38;
	[tilespmem:$0x8E80] =	vst v63  }
0xcf: {  	_ =	swait.ge [sflag:s25], $0xFA0  }
0xd0: {  	[sflag:s25] =	ssyncset.done $0x0  }
0xd1: {  	[sflag:s25] =	ssyncadd.s32 $0xFFFFF060  }
0xd2: {  	_ =	swait.ge [sflag:s26], $0xFA0  }
0xd3: {  	[sflag:s26] =	ssyncset.done $0x0  }
0xd4: {  	s31 =	sadd.s32 $0x1E00, s0;
	[sflag:s26] =	ssyncadd.s32 $0xFFFFF060  }
0xd5: {  	[tilespmem:s15], [sflag:$0x2] =	stream.indirect.gather [hbm4b:s3+s12], $0x20, s31, s12, $0xb8;
	[tilespmem:$0x8E80] =	vst v63  }
0xd6: {  	s0 =	sadd.s32 $0x4600, s0  }
0xd7: {  	[tilespmem:s16], [sflag:$0x4] =	stream.indirect.gather [hbm4b:s4+s12], $0x20, s0, s12, $0xb8;
	[tilespmem:$0x8E80] =	vst v63  }
0xd8: {  	_ =	swait.ge [sflag:s17], $0xFA0  }
0xd9: {  	[sflag:s17] =	ssyncset.done $0x0  }
0xda: {  	[sflag:s17] =	ssyncadd.s32 $0xFFFFF060  }
0xdb: {  	_ =	swait.ge [sflag:s18], $0xFA0  }
0xdc: {  	[sflag:s18] =	ssyncset.done $0x0  }
0xdd: {  	s11 =	sadd.s32 $0x8, s1;
	[sflag:s18] =	ssyncadd.s32 $0xFFFFF060  }
0xde: {  	[hbm4b:s11+s19] =	stream.strided.scatter [tilespmem:s13], [sflag:$0x5], $0xFA0, s20, s19, $0x38;
	[tilespmem:$0x8E80] =	vst v63  }
0xdf: {  	s29 =	sadd.s32 $0x8, s2  }
0xe0: {  	[hbm4b:s29+s19] =	stream.strided.scatter [tilespmem:s14], [sflag:$0x7], $0xFA0, s20, s19, $0x38;
	[tilespmem:$0x8E80] =	vst v63  }
0xe1: {  	_ =	swait.ge [sflag:s23], $0xFA0  }
0xe2: {  	[sflag:s23] =	ssyncset.done $0x0  }
0xe3: {  	[sflag:s23] =	ssyncadd.s32 $0xFFFFF060  }
0xe4: {  	_ =	swait.ge [sflag:s24], $0xFA0  }
0xe5: {  	[sflag:s24] =	ssyncset.done $0x0  }
0xe6: {  	s30 =	sadd.s32 $0xC, s1;
	[sflag:s24] =	ssyncadd.s32 $0xFFFFF060  }
0xe7: {  	[hbm4b:s30+s19] =	stream.strided.scatter [tilespmem:s15], [sflag:$0x6], $0xFA0, s20, s19, $0x38;
	[tilespmem:$0x8E80] =	vst v63  }
0xe8: {  	s31 =	sadd.s32 $0xC, s2  }
0xe9: {  	[hbm4b:s31+s19] =	stream.strided.scatter [tilespmem:s16], [sflag:$0x8], $0xFA0, s20, s19, $0x38;
	[tilespmem:$0x8E80] =	vst v63  }
0xea: {  	_ =	swait.ge [sflag:s21], $0xFA0  }
0xeb: {  	[sflag:s21] =	ssyncset.done $0x0  }
0xec: {  	[sflag:s21] =	ssyncadd.s32 $0xFFFFF060  }
0xed: {  	_ =	swait.ge [sflag:s22], $0xFA0  }
0xee: {  	[sflag:s22] =	ssyncset.done $0x0  }
0xef: {  	s28 =	sadd.s32 $0x1, s28;
	[sflag:s22] =	ssyncadd.s32 $0xFFFFF060  }
0xf0: {  	p0 =	sne.s32 s28, s7;
	_ =	swait.ge [sflag:s25], $0xFA0  }
.Ltmp1:
0xf1: {  	[sflag:s25] =	ssyncset.done $0x0;
	(pc) =	sbr.rel @p0 .LBB2_1-.Ltmp1, $4  }
0xf2: {  	[sflag:s25] =	ssyncadd.s32 $0xFFFFF060  }
0xf3: {  	_ =	swait.ge [sflag:s26], $0xFA0  }
0xf4: {  	[sflag:s26] =	ssyncset.done $0x0  }
0xf5: {  	[sflag:s26] =	ssyncadd.s32 $0xFFFFF060  }
0xf6: {  	_ =	sfence.sel $0x180000  }
0xf7: {  	[bflag:$0x0] =	sbarrier.arrive $0xFFFF  }
0xf8: {  	_ =	strace $0x90000047  }
0xf9: {  	s0 =	stileid.u32;
	[bflag:$0x2] =	sbarrier.arrive $0xFFFF  }
0xfa: {  	p0 =	sne.s32 s0, $0x0;
	s0 =	rddreg [dreg:$0x2]  }
0xfb: {  	s0 =	sadd.s32 @!p0 $0x100000, s0  }
0xfc: {  	[sflag:s0] =	ssyncadd.tile.s32 @!p0 $0x1;
	_ =	shalt  }
.Lfunc_end2:
_tile_overlayer_lowered:
.L_overlay_start_2:
0xfd: {  	(tag) =	ssettag $0x2  }
0xfe: {  	s0 =	rddreg [dreg:$0x0];
	s2 =	stileid.u32  }
0xff: {  	s1 =	rddreg [dreg:$0x1];
	p0 =	sne.s32 s2, $0x0  }
0x100: {  	s3 =	rddreg [dreg:$0x2];
	[bflag:$0x3] =	sbarrier.arrive $0xFFFF;
	s2 =	simm.s32 @!p0 $0x1C09  }
0x101: {  	[timem:s3], [sflag:s2] =	dma.local @!p0 [hbm:s0], s1  }
0x102: {  	s0 =	simm.s32 @!p0 $0x9  }
0x103: {  	_ =	swait.ge @!p0 [sflag:s0], s1  }
0x104: {  	s1 =	ssub.s32 @!p0 $0x0, s1;
	[sflag:s0] =	ssyncset.done @!p0 $0x0  }
0x105: {  	[sflag:s0] =	ssyncadd.s32 @!p0 s1  }
0x106: {  	[bflag:$0x3] =	sbarrier.arrive $0xFFFF  }
0x107: {  	_ =	shalt  }

</sc_bundles>
